<compile_context>
chip_gen: v7x
topology: tpu7x:2x2x1
jax: 0.10.2.dev20260603
libtpu: 0.0.44.dev20260713+nightly
codegen_flags: <defaults>
</compile_context>

<pallas_src>
import functools

import jax
import jax.numpy as jnp
from jax import lax
from jax.experimental import pallas as pl
from jax.experimental.pallas import tpu as pltpu
from jax.experimental.pallas import tpu_sc as plsc

R = 32
V = R * R * R
B = 4
C = 256
N = 16384
L = 16
NC = 2
NS = 16
NW = NC * NS
PW = (B * N) // NW
S = 16
G = 128
SPG = G // S
NGRP = PW // G
WPB = N // PW


def _body(table, coords, out, coords_v, idx_v, w_v, rows_v, out_v):
    ci = lax.axis_index("c")
    si = lax.axis_index("s")
    wid = si * NC + ci
    b = wid // WPB
    pbase = (wid % WPB) * PW

    pltpu.sync_copy(coords.at[b, :, pl.ds(pbase, PW)], coords_v)

    ramp = lax.iota(jnp.int32, L)
    d1 = [j * S + ramp for j in range(8)]

    def prep(p0):
        x = coords_v[0, pl.ds(p0, S)]
        y = coords_v[1, pl.ds(p0, S)]
        z = coords_v[2, pl.ds(p0, S)]
        x = jnp.minimum(jnp.maximum(x, 0.0), float(R - 1))
        y = jnp.minimum(jnp.maximum(y, 0.0), float(R - 1))
        z = jnp.minimum(jnp.maximum(z, 0.0), float(R - 1))
        x0 = x.astype(jnp.int32)
        y0 = y.astype(jnp.int32)
        z0 = z.astype(jnp.int32)
        wx = x - x0.astype(jnp.float32)
        wy = y - y0.astype(jnp.float32)
        wz = z - z0.astype(jnp.float32)
        x1 = jnp.minimum(x0 + 1, R - 1)
        y1 = jnp.minimum(y0 + 1, R - 1)
        z1 = jnp.minimum(z0 + 1, R - 1)
        gx = 1.0 - wx
        gy = 1.0 - wy
        gz = 1.0 - wz

        hx0 = x0 * (R * R) + b * V
        hx1 = x1 * (R * R) + b * V
        hy0 = y0 * R
        hy1 = y1 * R
        c00 = hx0 + hy0
        c01 = hx0 + hy1
        c10 = hx1 + hy0
        c11 = hx1 + hy1
        idx8 = [c00 + z0, c00 + z1, c01 + z0, c01 + z1,
                c10 + z0, c10 + z1, c11 + z0, c11 + z1]
        a00 = gx * gy
        a01 = gx * wy
        a10 = wx * gy
        a11 = wx * wy
        w8 = [a00 * gz, a00 * wz, a01 * gz, a01 * wz,
              a10 * gz, a10 * wz, a11 * gz, a11 * wz]
        for j in range(8):
            idx_v[pl.ds(j * S, S)] = idx8[j]
            w_v[j, :] = w8[j]

    def compute(col0):
        wv = [w_v[j, :] for j in range(8)]

        def cbody(c, _):
            d2 = jnp.full((L,), c, jnp.int32)
            acc = wv[0] * plsc.load_gather(rows_v, [d1[0], d2])
            for j in range(1, 8):
                acc = acc + wv[j] * plsc.load_gather(rows_v, [d1[j], d2])
            out_v[c, pl.ds(col0, S)] = acc
            return 0

        lax.fori_loop(0, C, cbody, 0, unroll=2)

    def group(g, _):
        def sub(s, _):
            p0 = g * G + s * S
            prep(p0)
            pltpu.sync_copy(table.at[idx_v], rows_v)
            compute(s * S)
            return 0

        lax.fori_loop(0, SPG, sub, 0)
        pltpu.sync_copy(out_v, out.at[b, :, pl.ds(pbase + g * G, G)])
        return 0

    lax.fori_loop(0, NGRP, group, 0)


_devox = pl.kernel(
    _body,
    out_type=jax.ShapeDtypeStruct((B, C, N), jnp.float32),
    mesh=plsc.VectorSubcoreMesh(
        core_axis_name="c", subcore_axis_name="s", num_cores=NC, num_subcores=NS
    ),
    compiler_params=pltpu.CompilerParams(needs_layout_passes=False),
    scratch_types=[
        pltpu.VMEM((3, PW), jnp.float32),
        pltpu.VMEM((8 * S,), jnp.int32),
        pltpu.VMEM((8, S), jnp.float32),
        pltpu.VMEM((8 * S, C), jnp.float32),
        pltpu.VMEM((C, G), jnp.float32),
    ],
)


@jax.jit
def kernel(voxel_features, voxel_coords):
    table = (
        voxel_features.reshape(B, C, V).transpose(0, 2, 1).reshape(B * V, C)
    )
    return _devox(table, voxel_coords)

# --- scband reference (transcript-rebuilt; emitter-appended) ---
"""Pipeline reference for scband-de-voxelization-37855841747691 (READ-ONLY COPY).

The authoritative reference and input builder live on the scoring server;
editing this copy changes nothing except your own understanding.
"""

import jax, jax.numpy as jnp
import numpy as np

RESOLUTION = 32


def _trilinear_devoxelize(voxel_features, voxel_coords, r):
    # voxel_features: [B, C, r, r, r]; voxel_coords: [B, 3, N] float in [0, r-1]
    B = voxel_features.shape[0]
    C = voxel_features.shape[1]
    N = voxel_coords.shape[2]
    f = voxel_features.reshape(B, C, r * r * r)
    coords = jnp.clip(voxel_coords, 0.0, float(r - 1))
    x = coords[:, 0, :]
    y = coords[:, 1, :]
    z = coords[:, 2, :]
    x0f = jnp.floor(x); y0f = jnp.floor(y); z0f = jnp.floor(z)
    x0 = jnp.clip(x0f.astype(jnp.int32), 0, r - 1)
    y0 = jnp.clip(y0f.astype(jnp.int32), 0, r - 1)
    z0 = jnp.clip(z0f.astype(jnp.int32), 0, r - 1)
    x1 = jnp.minimum(x0 + 1, r - 1)
    y1 = jnp.minimum(y0 + 1, r - 1)
    z1 = jnp.minimum(z0 + 1, r - 1)
    wx = x - x0f
    wy = y - y0f
    wz = z - z0f

    def gather(xi, yj, zk):
        idx = (xi * r + yj) * r + zk  # [B, N]
        idx_b = jnp.broadcast_to(idx[:, None, :], (B, C, N))
        return jnp.take_along_axis(f, idx_b, axis=2)  # [B, C, N]

    w000 = ((1.0 - wx) * (1.0 - wy) * (1.0 - wz))[:, None, :]
    w001 = ((1.0 - wx) * (1.0 - wy) * wz)[:, None, :]
    w010 = ((1.0 - wx) * wy * (1.0 - wz))[:, None, :]
    w011 = ((1.0 - wx) * wy * wz)[:, None, :]
    w100 = (wx * (1.0 - wy) * (1.0 - wz))[:, None, :]
    w101 = (wx * (1.0 - wy) * wz)[:, None, :]
    w110 = (wx * wy * (1.0 - wz))[:, None, :]
    w111 = (wx * wy * wz)[:, None, :]

    out = (gather(x0, y0, z0) * w000 + gather(x0, y0, z1) * w001 +
           gather(x0, y1, z0) * w010 + gather(x0, y1, z1) * w011 +
           gather(x1, y0, z0) * w100 + gather(x1, y0, z1) * w101 +
           gather(x1, y1, z0) * w110 + gather(x1, y1, z1) * w111)
    return out  # [B, C, N]


def setup_inputs(seed: int = 0) -> dict:
    key = jax.random.key(seed)
    k1, k2 = jax.random.split(key)
    voxel_features = jax.random.normal(k1, (4, 256, RESOLUTION, RESOLUTION, RESOLUTION), dtype=jnp.float32)
    # point coordinates in voxel-grid units, continuous in [0, r-1]
    voxel_coords = jax.random.uniform(k2, (4, 3, 16384), dtype=jnp.float32) * float(RESOLUTION - 1)
    return {"voxel_features": voxel_features, "voxel_coords": voxel_coords}


def reference(voxel_features, voxel_coords):
    return _trilinear_devoxelize(voxel_features, voxel_coords, RESOLUTION)

if __name__ == "__main__":
    import jax
    _d = setup_inputs()
    print(jax.jit(kernel)(*tuple(_d.values())))

</pallas_src>

<mosaic_0001>
#map = affine_map<(d0, d1) -> (0, 0)>
#map1 = affine_map<(d0, d1) -> (0, 0, 0)>
module attributes {stable_mosaic.version = 14 : i64} {
  func.func @_body(%arg0: i32, %arg1: i32, %arg2: memref<131072x256xf32, #tpu.memory_space<hbm>>, %arg3: memref<4x3x16384xf32, #tpu.memory_space<hbm>>, %arg4: memref<4x256x16384xf32, #tpu.memory_space<hbm>>, %arg5: memref<3x2048xf32, #tpu.memory_space<vmem>>, %arg6: memref<128xi32, #tpu.memory_space<vmem>>, %arg7: memref<8x16xf32, #tpu.memory_space<vmem>>, %arg8: memref<128x256xf32, #tpu.memory_space<vmem>>, %arg9: memref<256x128xf32, #tpu.memory_space<vmem>>) attributes {dimension_semantics = [#tpu.dimension_semantics<core_parallel>, #tpu.dimension_semantics<subcore_parallel>], iteration_bounds = array<i64: 2, 16>, scalar_prefetch = 0 : i64, scratch_operands = 5 : i64, tpu.core_type = #tpu.core_type<sc_vector_subcore>, window_params = [{transform_indices = #map}, {transform_indices = #map1}, {transform_indices = #map1}]} {
    %mul3A = arith.constant 2 : i32
    %mul3A_0 = arith.muli %arg1, %mul3A : i32
    %add3A = arith.addi %mul3A_0, %arg0 : i32
    %jit3A = arith.constant 8 : i32
    %div3A = arith.divsi %add3A, %jit3A : i32
    %sign3A = arith.constant 0 : i32
    %sign3A_1 = arith.cmpi sgt, %add3A, %sign3A : i32
    %sign3A_2 = arith.extui %sign3A_1 : i1 to i32
    %sign3A_3 = arith.constant 0 : i32
    %sign3A_4 = arith.cmpi slt, %add3A, %sign3A_3 : i32
    %sign3A_5 = arith.extui %sign3A_4 : i1 to i32
    %sign3A_6 = arith.subi %sign3A_2, %sign3A_5 : i32
    %sign3A_7 = arith.constant 0 : i32
    %sign3A_8 = arith.cmpi sgt, %jit3A, %sign3A_7 : i32
    %sign3A_9 = arith.extui %sign3A_8 : i1 to i32
    %sign3A_10 = arith.constant 0 : i32
    %sign3A_11 = arith.cmpi slt, %jit3A, %sign3A_10 : i32
    %sign3A_12 = arith.extui %sign3A_11 : i1 to i32
    %sign3A_13 = arith.subi %sign3A_9, %sign3A_12 : i32
    %ne3A = arith.cmpi ne, %sign3A_6, %sign3A_13 : i32
    %rem3A = arith.remsi %add3A, %jit3A : i32
    %ne3A_14 = arith.constant 0 : i32
    %ne3A_15 = arith.cmpi ne, %rem3A, %ne3A_14 : i32
    %and3A = arith.andi %ne3A, %ne3A_15 : i1
    %sub3A = arith.constant 1 : i32
    %sub3A_16 = arith.subi %div3A, %sub3A : i32
    %select_n3A = arith.select %and3A, %sub3A_16, %div3A : i32
    %jit3A_17 = arith.constant 8 : i32
    %eq3A = arith.constant 0 : i32
    %eq3A_18 = arith.cmpi eq, %jit3A_17, %eq3A : i32
    %jit3A_19 = arith.constant 1 : i32
    %select_n3A_20 = arith.select %eq3A_18, %jit3A_19, %jit3A_17 : i32
    %rem3A_21 = arith.remsi %add3A, %select_n3A_20 : i32
    %ne3A_22 = arith.constant 0 : i32
    %ne3A_23 = arith.cmpi ne, %rem3A_21, %ne3A_22 : i32
    %lt3A = arith.constant 0 : i32
    %lt3A_24 = arith.cmpi slt, %rem3A_21, %lt3A : i32
    %lt3A_25 = arith.constant 0 : i32
    %lt3A_26 = arith.cmpi slt, %select_n3A_20, %lt3A_25 : i32
    %ne3A_27 = arith.xori %lt3A_24, %lt3A_26 : i1
    %and3A_28 = arith.andi %ne3A_27, %ne3A_23 : i1
    %add3A_29 = arith.addi %rem3A_21, %select_n3A_20 : i32
    %select_n3A_30 = arith.select %and3A_28, %add3A_29, %rem3A_21 : i32
    %mul3A_31 = arith.constant 2048 : i32
    %mul3A_32 = arith.muli %select_n3A_30, %mul3A_31 : i32
    "tpu.region"() ({
      %run_scoped3A = tpu.sem_alloc : memref<!tpu.dma_semaphore, #tpu.memory_space<semaphore_mem>>
      %dma_start3A = arith.constant 0 : i32
      %dma_start3A_63 = tpu.memref_slice %arg3[%select_n3A, %dma_start3A, %mul3A_32] : memref<4x3x16384xf32, #tpu.memory_space<hbm>> -> memref<1x3x2048xf32, #tpu.memory_space<hbm>>
      %dma_start3A_64 = tpu.memref_squeeze %dma_start3A_63 : memref<1x3x2048xf32, #tpu.memory_space<hbm>> -> memref<3x2048xf32, #tpu.memory_space<hbm>>
      %dma_start3A_65 = arith.constant 0 : i32
      %dma_start3A_66 = tpu.memref_slice %arg3[%select_n3A, %dma_start3A_65, %mul3A_32] : memref<4x3x16384xf32, #tpu.memory_space<hbm>> -> memref<1x3x2048xf32, #tpu.memory_space<hbm>>
      %dma_start3A_67 = tpu.memref_squeeze %dma_start3A_66 : memref<1x3x2048xf32, #tpu.memory_space<hbm>> -> memref<3x2048xf32, #tpu.memory_space<hbm>>
      tpu.enqueue_dma source(%dma_start3A_67 : memref<3x2048xf32, #tpu.memory_space<hbm>>) target(%arg5 : memref<3x2048xf32, #tpu.memory_space<vmem>>) target_semaphore(%run_scoped3A : memref<!tpu.dma_semaphore, #tpu.memory_space<semaphore_mem>>)
      %dma_wait3A = arith.constant 0 : i32
      %dma_wait3A_68 = tpu.memref_slice %arg3[%select_n3A, %dma_wait3A, %mul3A_32] : memref<4x3x16384xf32, #tpu.memory_space<hbm>> -> memref<1x3x2048xf32, #tpu.memory_space<hbm>>
      %dma_wait3A_69 = tpu.memref_squeeze %dma_wait3A_68 : memref<1x3x2048xf32, #tpu.memory_space<hbm>> -> memref<3x2048xf32, #tpu.memory_space<hbm>>
      %dma_wait3A_70 = arith.constant 0 : i32
      %dma_wait3A_71 = tpu.memref_slice %arg3[%select_n3A, %dma_wait3A_70, %mul3A_32] : memref<4x3x16384xf32, #tpu.memory_space<hbm>> -> memref<1x3x2048xf32, #tpu.memory_space<hbm>>
      %dma_wait3A_72 = tpu.memref_squeeze %dma_wait3A_71 : memref<1x3x2048xf32, #tpu.memory_space<hbm>> -> memref<3x2048xf32, #tpu.memory_space<hbm>>
      tpu.wait_dma2 semaphore(%run_scoped3A : memref<!tpu.dma_semaphore, #tpu.memory_space<semaphore_mem>>) src(%dma_wait3A_72 : memref<3x2048xf32, #tpu.memory_space<hbm>>) dst(%arg5 : memref<3x2048xf32, #tpu.memory_space<vmem>>)
      tpu.yield
    }) : () -> ()
    %iota3A = tpu.iota {dimensions = array<i32: 0>} : vector<16xi32>
    %add3A_33 = arith.constant 0 : i32
    %add3A_34 = vector.broadcast %add3A_33 : i32 to vector<16xi32>
    %add3A_35 = arith.addi %add3A_34, %iota3A : vector<16xi32>
    %add3A_36 = arith.constant 16 : i32
    %add3A_37 = vector.broadcast %add3A_36 : i32 to vector<16xi32>
    %add3A_38 = arith.addi %add3A_37, %iota3A : vector<16xi32>
    %add3A_39 = arith.constant 32 : i32
    %add3A_40 = vector.broadcast %add3A_39 : i32 to vector<16xi32>
    %add3A_41 = arith.addi %add3A_40, %iota3A : vector<16xi32>
    %add3A_42 = arith.constant 48 : i32
    %add3A_43 = vector.broadcast %add3A_42 : i32 to vector<16xi32>
    %add3A_44 = arith.addi %add3A_43, %iota3A : vector<16xi32>
    %add3A_45 = arith.constant 64 : i32
    %add3A_46 = vector.broadcast %add3A_45 : i32 to vector<16xi32>
    %add3A_47 = arith.addi %add3A_46, %iota3A : vector<16xi32>
    %add3A_48 = arith.constant 80 : i32
    %add3A_49 = vector.broadcast %add3A_48 : i32 to vector<16xi32>
    %add3A_50 = arith.addi %add3A_49, %iota3A : vector<16xi32>
    %add3A_51 = arith.constant 96 : i32
    %add3A_52 = vector.broadcast %add3A_51 : i32 to vector<16xi32>
    %add3A_53 = arith.addi %add3A_52, %iota3A : vector<16xi32>
    %add3A_54 = arith.constant 112 : i32
    %add3A_55 = vector.broadcast %add3A_54 : i32 to vector<16xi32>
    %add3A_56 = arith.addi %add3A_55, %iota3A : vector<16xi32>
    %scan3A = arith.constant 0 : i32
    %scan3A_57 = arith.constant 0 : i32
    %scan3A_58 = arith.constant 16 : i32
    %scan3A_59 = arith.addi %scan3A_57, %scan3A_58 : i32
    %scan3A_60 = arith.constant 1 : i32
    %scan3A_61 = scf.for %scan3A_63 = %scan3A_57 to %scan3A_59 step %scan3A_60 iter_args(%scan3A_64 = %scan3A) -> (i32)  : i32 {
      %scan3A_65 = arith.constant 0 : i32
      %scan3A_66 = arith.constant 0 : i32
      %scan3A_67 = arith.constant 8 : i32
      %scan3A_68 = arith.addi %scan3A_66, %scan3A_67 : i32
      %scan3A_69 = arith.constant 1 : i32
      %scan3A_70 = scf.for %scan3A_76 = %scan3A_66 to %scan3A_68 step %scan3A_69 iter_args(%scan3A_77 = %scan3A_65) -> (i32)  : i32 {
        %mul3A_78 = arith.constant 128 : i32
        %mul3A_79 = arith.muli %scan3A_63, %mul3A_78 : i32
        %mul3A_80 = arith.constant 16 : i32
        %mul3A_81 = arith.muli %scan3A_76, %mul3A_80 : i32
        %add3A_82 = arith.addi %mul3A_79, %mul3A_81 : i32
        %get3A = arith.constant 0 : i32
        %get3A_83 = arith.index_cast %get3A : i32 to index
        %get3A_84 = arith.index_cast %add3A_82 : i32 to index
        %get3A_85 = tpu.vector_load %arg5[%get3A_83, %get3A_84] {strides = array<i32>} : memref<3x2048xf32, #tpu.memory_space<vmem>>, vector<16xf32>,
        %get3A_86 = arith.constant 1 : i32
        %get3A_87 = arith.index_cast %get3A_86 : i32 to index
        %get3A_88 = arith.index_cast %add3A_82 : i32 to index
        %get3A_89 = tpu.vector_load %arg5[%get3A_87, %get3A_88] {strides = array<i32>} : memref<3x2048xf32, #tpu.memory_space<vmem>>, vector<16xf32>,
        %get3A_90 = arith.constant 2 : i32
        %get3A_91 = arith.index_cast %get3A_90 : i32 to index
        %get3A_92 = arith.index_cast %add3A_82 : i32 to index
        %get3A_93 = tpu.vector_load %arg5[%get3A_91, %get3A_92] {strides = array<i32>} : memref<3x2048xf32, #tpu.memory_space<vmem>>, vector<16xf32>,
        %max3A = arith.constant 0.000000e+00 : f32
        %max3A_94 = vector.broadcast %max3A : f32 to vector<16xf32>
        %max3A_95 = arith.maximumf %get3A_85, %max3A_94 : vector<16xf32>
        %min3A = arith.constant 3.100000e+01 : f32
        %min3A_96 = vector.broadcast %min3A : f32 to vector<16xf32>
        %min3A_97 = arith.minimumf %max3A_95, %min3A_96 : vector<16xf32>
        %max3A_98 = arith.constant 0.000000e+00 : f32
        %max3A_99 = vector.broadcast %max3A_98 : f32 to vector<16xf32>
        %max3A_100 = arith.maximumf %get3A_89, %max3A_99 : vector<16xf32>
        %min3A_101 = arith.constant 3.100000e+01 : f32
        %min3A_102 = vector.broadcast %min3A_101 : f32 to vector<16xf32>
        %min3A_103 = arith.minimumf %max3A_100, %min3A_102 : vector<16xf32>
        %max3A_104 = arith.constant 0.000000e+00 : f32
        %max3A_105 = vector.broadcast %max3A_104 : f32 to vector<16xf32>
        %max3A_106 = arith.maximumf %get3A_93, %max3A_105 : vector<16xf32>
        %min3A_107 = arith.constant 3.100000e+01 : f32
        %min3A_108 = vector.broadcast %min3A_107 : f32 to vector<16xf32>
        %min3A_109 = arith.minimumf %max3A_106, %min3A_108 : vector<16xf32>
        %convert_element_type3A = arith.fptosi %min3A_97 : vector<16xf32> to vector<16xi32>
        %convert_element_type3A_110 = arith.fptosi %min3A_103 : vector<16xf32> to vector<16xi32>
        %convert_element_type3A_111 = arith.fptosi %min3A_109 : vector<16xf32> to vector<16xi32>
        %convert_element_type3A_112 = arith.sitofp %convert_element_type3A : vector<16xi32> to vector<16xf32>
        %sub3A_113 = arith.subf %min3A_97, %convert_element_type3A_112 : vector<16xf32>
        %convert_element_type3A_114 = arith.sitofp %convert_element_type3A_110 : vector<16xi32> to vector<16xf32>
        %sub3A_115 = arith.subf %min3A_103, %convert_element_type3A_114 : vector<16xf32>
        %convert_element_type3A_116 = arith.sitofp %convert_element_type3A_111 : vector<16xi32> to vector<16xf32>
        %sub3A_117 = arith.subf %min3A_109, %convert_element_type3A_116 : vector<16xf32>
        %add3A_118 = arith.constant 1 : i32
        %add3A_119 = vector.broadcast %add3A_118 : i32 to vector<16xi32>
        %add3A_120 = arith.addi %convert_element_type3A, %add3A_119 : vector<16xi32>
        %min3A_121 = arith.constant 31 : i32
        %min3A_122 = vector.broadcast %min3A_121 : i32 to vector<16xi32>
        %min3A_123 = arith.minsi %add3A_120, %min3A_122 : vector<16xi32>
        %add3A_124 = arith.constant 1 : i32
        %add3A_125 = vector.broadcast %add3A_124 : i32 to vector<16xi32>
        %add3A_126 = arith.addi %convert_element_type3A_110, %add3A_125 : vector<16xi32>
        %min3A_127 = arith.constant 31 : i32
        %min3A_128 = vector.broadcast %min3A_127 : i32 to vector<16xi32>
        %min3A_129 = arith.minsi %add3A_126, %min3A_128 : vector<16xi32>
        %add3A_130 = arith.constant 1 : i32
        %add3A_131 = vector.broadcast %add3A_130 : i32 to vector<16xi32>
        %add3A_132 = arith.addi %convert_element_type3A_111, %add3A_131 : vector<16xi32>
        %min3A_133 = arith.constant 31 : i32
        %min3A_134 = vector.broadcast %min3A_133 : i32 to vector<16xi32>
        %min3A_135 = arith.minsi %add3A_132, %min3A_134 : vector<16xi32>
        %sub3A_136 = arith.constant 1.000000e+00 : f32
        %sub3A_137 = vector.broadcast %sub3A_136 : f32 to vector<16xf32>
        %sub3A_138 = arith.subf %sub3A_137, %sub3A_113 : vector<16xf32>
        %sub3A_139 = arith.constant 1.000000e+00 : f32
        %sub3A_140 = vector.broadcast %sub3A_139 : f32 to vector<16xf32>
        %sub3A_141 = arith.subf %sub3A_140, %sub3A_115 : vector<16xf32>
        %sub3A_142 = arith.constant 1.000000e+00 : f32
        %sub3A_143 = vector.broadcast %sub3A_142 : f32 to vector<16xf32>
        %sub3A_144 = arith.subf %sub3A_143, %sub3A_117 : vector<16xf32>
        %mul3A_145 = arith.constant 1024 : i32
        %mul3A_146 = vector.broadcast %mul3A_145 : i32 to vector<16xi32>
        %mul3A_147 = arith.muli %convert_element_type3A, %mul3A_146 : vector<16xi32>
        %mul3A_148 = arith.constant 32768 : i32
        %mul3A_149 = arith.muli %select_n3A, %mul3A_148 : i32
        %add3A_150 = vector.broadcast %mul3A_149 : i32 to vector<16xi32>
        %add3A_151 = arith.addi %mul3A_147, %add3A_150 : vector<16xi32>
        %mul3A_152 = arith.constant 1024 : i32
        %mul3A_153 = vector.broadcast %mul3A_152 : i32 to vector<16xi32>
        %mul3A_154 = arith.muli %min3A_123, %mul3A_153 : vector<16xi32>
        %mul3A_155 = arith.constant 32768 : i32
        %mul3A_156 = arith.muli %select_n3A, %mul3A_155 : i32
        %add3A_157 = vector.broadcast %mul3A_156 : i32 to vector<16xi32>
        %add3A_158 = arith.addi %mul3A_154, %add3A_157 : vector<16xi32>
        %mul3A_159 = arith.constant 32 : i32
        %mul3A_160 = vector.broadcast %mul3A_159 : i32 to vector<16xi32>
        %mul3A_161 = arith.muli %convert_element_type3A_110, %mul3A_160 : vector<16xi32>
        %mul3A_162 = arith.constant 32 : i32
        %mul3A_163 = vector.broadcast %mul3A_162 : i32 to vector<16xi32>
        %mul3A_164 = arith.muli %min3A_129, %mul3A_163 : vector<16xi32>
        %add3A_165 = arith.addi %add3A_151, %mul3A_161 : vector<16xi32>
        %add3A_166 = arith.addi %add3A_151, %mul3A_164 : vector<16xi32>
        %add3A_167 = arith.addi %add3A_158, %mul3A_161 : vector<16xi32>
        %add3A_168 = arith.addi %add3A_158, %mul3A_164 : vector<16xi32>
        %add3A_169 = arith.addi %add3A_165, %convert_element_type3A_111 : vector<16xi32>
        %add3A_170 = arith.addi %add3A_165, %min3A_135 : vector<16xi32>
        %add3A_171 = arith.addi %add3A_166, %convert_element_type3A_111 : vector<16xi32>
        %add3A_172 = arith.addi %add3A_166, %min3A_135 : vector<16xi32>
        %add3A_173 = arith.addi %add3A_167, %convert_element_type3A_111 : vector<16xi32>
        %add3A_174 = arith.addi %add3A_167, %min3A_135 : vector<16xi32>
        %add3A_175 = arith.addi %add3A_168, %convert_element_type3A_111 : vector<16xi32>
        %add3A_176 = arith.addi %add3A_168, %min3A_135 : vector<16xi32>
        %mul3A_177 = arith.mulf %sub3A_138, %sub3A_141 : vector<16xf32>
        %mul3A_178 = arith.mulf %sub3A_138, %sub3A_115 : vector<16xf32>
        %mul3A_179 = arith.mulf %sub3A_113, %sub3A_141 : vector<16xf32>
        %mul3A_180 = arith.mulf %sub3A_113, %sub3A_115 : vector<16xf32>
        %mul3A_181 = arith.mulf %mul3A_177, %sub3A_144 : vector<16xf32>
        %mul3A_182 = arith.mulf %mul3A_177, %sub3A_117 : vector<16xf32>
        %mul3A_183 = arith.mulf %mul3A_178, %sub3A_144 : vector<16xf32>
        %mul3A_184 = arith.mulf %mul3A_178, %sub3A_117 : vector<16xf32>
        %mul3A_185 = arith.mulf %mul3A_179, %sub3A_144 : vector<16xf32>
        %mul3A_186 = arith.mulf %mul3A_179, %sub3A_117 : vector<16xf32>
        %mul3A_187 = arith.mulf %mul3A_180, %sub3A_144 : vector<16xf32>
        %mul3A_188 = arith.mulf %mul3A_180, %sub3A_117 : vector<16xf32>
        %swap3A = arith.constant 0 : index
        %swap3A_189 = tpu.vector_load %arg6[%swap3A] {strides = array<i32>} : memref<128xi32, #tpu.memory_space<vmem>>, vector<16xi32>,
        tpu.vector_store %arg6[%swap3A], %add3A_169 {strides = array<i32>} : memref<128xi32, #tpu.memory_space<vmem>>, vector<16xi32>,
        %swap3A_190 = arith.constant 0 : i32
        %swap3A_191 = arith.index_cast %swap3A_190 : i32 to index
        %swap3A_192 = arith.constant 0 : index
        %swap3A_193 = tpu.vector_load %arg7[%swap3A_191, %swap3A_192] {strides = array<i32>} : memref<8x16xf32, #tpu.memory_space<vmem>>, vector<16xf32>,
        tpu.vector_store %arg7[%swap3A_191, %swap3A_192], %mul3A_181 {strides = array<i32>} : memref<8x16xf32, #tpu.memory_space<vmem>>, vector<16xf32>,
        %swap3A_194 = arith.constant 16 : index
        %swap3A_195 = tpu.vector_load %arg6[%swap3A_194] {strides = array<i32>} : memref<128xi32, #tpu.memory_space<vmem>>, vector<16xi32>,
        tpu.vector_store %arg6[%swap3A_194], %add3A_170 {strides = array<i32>} : memref<128xi32, #tpu.memory_space<vmem>>, vector<16xi32>,
        %swap3A_196 = arith.constant 1 : i32
        %swap3A_197 = arith.index_cast %swap3A_196 : i32 to index
        %swap3A_198 = arith.constant 0 : index
        %swap3A_199 = tpu.vector_load %arg7[%swap3A_197, %swap3A_198] {strides = array<i32>} : memref<8x16xf32, #tpu.memory_space<vmem>>, vector<16xf32>,
        tpu.vector_store %arg7[%swap3A_197, %swap3A_198], %mul3A_182 {strides = array<i32>} : memref<8x16xf32, #tpu.memory_space<vmem>>, vector<16xf32>,
        %swap3A_200 = arith.constant 32 : index
        %swap3A_201 = tpu.vector_load %arg6[%swap3A_200] {strides = array<i32>} : memref<128xi32, #tpu.memory_space<vmem>>, vector<16xi32>,
        tpu.vector_store %arg6[%swap3A_200], %add3A_171 {strides = array<i32>} : memref<128xi32, #tpu.memory_space<vmem>>, vector<16xi32>,
        %swap3A_202 = arith.constant 2 : i32
        %swap3A_203 = arith.index_cast %swap3A_202 : i32 to index
        %swap3A_204 = arith.constant 0 : index
        %swap3A_205 = tpu.vector_load %arg7[%swap3A_203, %swap3A_204] {strides = array<i32>} : memref<8x16xf32, #tpu.memory_space<vmem>>, vector<16xf32>,
        tpu.vector_store %arg7[%swap3A_203, %swap3A_204], %mul3A_183 {strides = array<i32>} : memref<8x16xf32, #tpu.memory_space<vmem>>, vector<16xf32>,
        %swap3A_206 = arith.constant 48 : index
        %swap3A_207 = tpu.vector_load %arg6[%swap3A_206] {strides = array<i32>} : memref<128xi32, #tpu.memory_space<vmem>>, vector<16xi32>,
        tpu.vector_store %arg6[%swap3A_206], %add3A_172 {strides = array<i32>} : memref<128xi32, #tpu.memory_space<vmem>>, vector<16xi32>,
        %swap3A_208 = arith.constant 3 : i32
        %swap3A_209 = arith.index_cast %swap3A_208 : i32 to index
        %swap3A_210 = arith.constant 0 : index
        %swap3A_211 = tpu.vector_load %arg7[%swap3A_209, %swap3A_210] {strides = array<i32>} : memref<8x16xf32, #tpu.memory_space<vmem>>, vector<16xf32>,
        tpu.vector_store %arg7[%swap3A_209, %swap3A_210], %mul3A_184 {strides = array<i32>} : memref<8x16xf32, #tpu.memory_space<vmem>>, vector<16xf32>,
        %swap3A_212 = arith.constant 64 : index
        %swap3A_213 = tpu.vector_load %arg6[%swap3A_212] {strides = array<i32>} : memref<128xi32, #tpu.memory_space<vmem>>, vector<16xi32>,
        tpu.vector_store %arg6[%swap3A_212], %add3A_173 {strides = array<i32>} : memref<128xi32, #tpu.memory_space<vmem>>, vector<16xi32>,
        %swap3A_214 = arith.constant 4 : i32
        %swap3A_215 = arith.index_cast %swap3A_214 : i32 to index
        %swap3A_216 = arith.constant 0 : index
        %swap3A_217 = tpu.vector_load %arg7[%swap3A_215, %swap3A_216] {strides = array<i32>} : memref<8x16xf32, #tpu.memory_space<vmem>>, vector<16xf32>,
        tpu.vector_store %arg7[%swap3A_215, %swap3A_216], %mul3A_185 {strides = array<i32>} : memref<8x16xf32, #tpu.memory_space<vmem>>, vector<16xf32>,
        %swap3A_218 = arith.constant 80 : index
        %swap3A_219 = tpu.vector_load %arg6[%swap3A_218] {strides = array<i32>} : memref<128xi32, #tpu.memory_space<vmem>>, vector<16xi32>,
        tpu.vector_store %arg6[%swap3A_218], %add3A_174 {strides = array<i32>} : memref<128xi32, #tpu.memory_space<vmem>>, vector<16xi32>,
        %swap3A_220 = arith.constant 5 : i32
        %swap3A_221 = arith.index_cast %swap3A_220 : i32 to index
        %swap3A_222 = arith.constant 0 : index
        %swap3A_223 = tpu.vector_load %arg7[%swap3A_221, %swap3A_222] {strides = array<i32>} : memref<8x16xf32, #tpu.memory_space<vmem>>, vector<16xf32>,
        tpu.vector_store %arg7[%swap3A_221, %swap3A_222], %mul3A_186 {strides = array<i32>} : memref<8x16xf32, #tpu.memory_space<vmem>>, vector<16xf32>,
        %swap3A_224 = arith.constant 96 : index
        %swap3A_225 = tpu.vector_load %arg6[%swap3A_224] {strides = array<i32>} : memref<128xi32, #tpu.memory_space<vmem>>, vector<16xi32>,
        tpu.vector_store %arg6[%swap3A_224], %add3A_175 {strides = array<i32>} : memref<128xi32, #tpu.memory_space<vmem>>, vector<16xi32>,
        %swap3A_226 = arith.constant 6 : i32
        %swap3A_227 = arith.index_cast %swap3A_226 : i32 to index
        %swap3A_228 = arith.constant 0 : index
        %swap3A_229 = tpu.vector_load %arg7[%swap3A_227, %swap3A_228] {strides = array<i32>} : memref<8x16xf32, #tpu.memory_space<vmem>>, vector<16xf32>,
        tpu.vector_store %arg7[%swap3A_227, %swap3A_228], %mul3A_187 {strides = array<i32>} : memref<8x16xf32, #tpu.memory_space<vmem>>, vector<16xf32>,
        %swap3A_230 = arith.constant 112 : index
        %swap3A_231 = tpu.vector_load %arg6[%swap3A_230] {strides = array<i32>} : memref<128xi32, #tpu.memory_space<vmem>>, vector<16xi32>,
        tpu.vector_store %arg6[%swap3A_230], %add3A_176 {strides = array<i32>} : memref<128xi32, #tpu.memory_space<vmem>>, vector<16xi32>,
        %swap3A_232 = arith.constant 7 : i32
        %swap3A_233 = arith.index_cast %swap3A_232 : i32 to index
        %swap3A_234 = arith.constant 0 : index
        %swap3A_235 = tpu.vector_load %arg7[%swap3A_233, %swap3A_234] {strides = array<i32>} : memref<8x16xf32, #tpu.memory_space<vmem>>, vector<16xf32>,
        tpu.vector_store %arg7[%swap3A_233, %swap3A_234], %mul3A_188 {strides = array<i32>} : memref<8x16xf32, #tpu.memory_space<vmem>>, vector<16xf32>,
        "tpu.region"() ({
          %run_scoped3A = tpu.sem_alloc : memref<!tpu.dma_semaphore, #tpu.memory_space<semaphore_mem>>
          %dma_start3A = arith.constant 0 : i32
          %dma_start3A_278 = arith.constant 0 : i32
          %dma_start3A_279 = tpu.memref_slice %arg2[%dma_start3A, %dma_start3A_278] : memref<131072x256xf32, #tpu.memory_space<hbm>> -> memref<131072x256xf32, #tpu.memory_space<hbm>>
          tpu.enqueue_indirect_dma source(%dma_start3A_279 : memref<131072x256xf32, #tpu.memory_space<hbm>>) target(%arg8 : memref<128x256xf32, #tpu.memory_space<vmem>>) offsets(%arg6 : memref<128xi32, #tpu.memory_space<vmem>>) semaphore(%run_scoped3A : memref<!tpu.dma_semaphore, #tpu.memory_space<semaphore_mem>>)
          %dma_wait3A = arith.constant 0 : i32
          %dma_wait3A_280 = arith.constant 0 : i32
          %dma_wait3A_281 = tpu.memref_slice %arg2[%dma_wait3A, %dma_wait3A_280] : memref<131072x256xf32, #tpu.memory_space<hbm>> -> memref<131072x256xf32, #tpu.memory_space<hbm>>
          tpu.wait_indirect_dma semaphore(%run_scoped3A : memref<!tpu.dma_semaphore, #tpu.memory_space<semaphore_mem>>) src(%dma_wait3A_281 : memref<131072x256xf32, #tpu.memory_space<hbm>>) dst(%arg8 : memref<128x256xf32, #tpu.memory_space<vmem>>)
          tpu.yield
        }) : () -> ()
        %mul3A_236 = arith.constant 16 : i32
        %mul3A_237 = arith.muli %scan3A_76, %mul3A_236 : i32
        %get3A_238 = arith.constant 0 : i32
        %get3A_239 = arith.index_cast %get3A_238 : i32 to index
        %get3A_240 = arith.constant 0 : index
        %get3A_241 = tpu.vector_load %arg7[%get3A_239, %get3A_240] {strides = array<i32>} : memref<8x16xf32, #tpu.memory_space<vmem>>, vector<16xf32>,
        %get3A_242 = arith.constant 1 : i32
        %get3A_243 = arith.index_cast %get3A_242 : i32 to index
        %get3A_244 = arith.constant 0 : index
        %get3A_245 = tpu.vector_load %arg7[%get3A_243, %get3A_244] {strides = array<i32>} : memref<8x16xf32, #tpu.memory_space<vmem>>, vector<16xf32>,
        %get3A_246 = arith.constant 2 : i32
        %get3A_247 = arith.index_cast %get3A_246 : i32 to index
        %get3A_248 = arith.constant 0 : index
        %get3A_249 = tpu.vector_load %arg7[%get3A_247, %get3A_248] {strides = array<i32>} : memref<8x16xf32, #tpu.memory_space<vmem>>, vector<16xf32>,
        %get3A_250 = arith.constant 3 : i32
        %get3A_251 = arith.index_cast %get3A_250 : i32 to index
        %get3A_252 = arith.constant 0 : index
        %get3A_253 = tpu.vector_load %arg7[%get3A_251, %get3A_252] {strides = array<i32>} : memref<8x16xf32, #tpu.memory_space<vmem>>, vector<16xf32>,
        %get3A_254 = arith.constant 4 : i32
        %get3A_255 = arith.index_cast %get3A_254 : i32 to index
        %get3A_256 = arith.constant 0 : index
        %get3A_257 = tpu.vector_load %arg7[%get3A_255, %get3A_256] {strides = array<i32>} : memref<8x16xf32, #tpu.memory_space<vmem>>, vector<16xf32>,
        %get3A_258 = arith.constant 5 : i32
        %get3A_259 = arith.index_cast %get3A_258 : i32 to index
        %get3A_260 = arith.constant 0 : index
        %get3A_261 = tpu.vector_load %arg7[%get3A_259, %get3A_260] {strides = array<i32>} : memref<8x16xf32, #tpu.memory_space<vmem>>, vector<16xf32>,
        %get3A_262 = arith.constant 6 : i32
        %get3A_263 = arith.index_cast %get3A_262 : i32 to index
        %get3A_264 = arith.constant 0 : index
        %get3A_265 = tpu.vector_load %arg7[%get3A_263, %get3A_264] {strides = array<i32>} : memref<8x16xf32, #tpu.memory_space<vmem>>, vector<16xf32>,
        %get3A_266 = arith.constant 7 : i32
        %get3A_267 = arith.index_cast %get3A_266 : i32 to index
        %get3A_268 = arith.constant 0 : index
        %get3A_269 = tpu.vector_load %arg7[%get3A_267, %get3A_268] {strides = array<i32>} : memref<8x16xf32, #tpu.memory_space<vmem>>, vector<16xf32>,
        %scan3A_270 = arith.constant 0 : i32
        %scan3A_271 = arith.constant 0 : i32
        %scan3A_272 = arith.constant 256 : i32
        %scan3A_273 = arith.addi %scan3A_271, %scan3A_272 : i32
        %scan3A_274 = arith.constant 2 : i32
        %scan3A_275 = scf.for %scan3A_278 = %scan3A_271 to %scan3A_273 step %scan3A_274 iter_args(%scan3A_279 = %scan3A_270) -> (i32)  : i32 {
          %broadcast_in_dim3A = vector.broadcast %scan3A_278 : i32 to vector<16xi32>
          %gather3A = tpu.vector_load_idx %arg8[%add3A_35, %broadcast_in_dim3A] : memref<128x256xf32, #tpu.memory_space<vmem>>[vector<16xi32>, vector<16xi32>], vector<16xf32>,
          %mul3A_280 = arith.mulf %get3A_241, %gather3A : vector<16xf32>
          %gather3A_281 = tpu.vector_load_idx %arg8[%add3A_38, %broadcast_in_dim3A] : memref<128x256xf32, #tpu.memory_space<vmem>>[vector<16xi32>, vector<16xi32>], vector<16xf32>,
          %mul3A_282 = arith.mulf %get3A_245, %gather3A_281 : vector<16xf32>
          %add3A_283 = arith.addf %mul3A_280, %mul3A_282 : vector<16xf32>
          %gather3A_284 = tpu.vector_load_idx %arg8[%add3A_41, %broadcast_in_dim3A] : memref<128x256xf32, #tpu.memory_space<vmem>>[vector<16xi32>, vector<16xi32>], vector<16xf32>,
          %mul3A_285 = arith.mulf %get3A_249, %gather3A_284 : vector<16xf32>
          %add3A_286 = arith.addf %add3A_283, %mul3A_285 : vector<16xf32>
          %gather3A_287 = tpu.vector_load_idx %arg8[%add3A_44, %broadcast_in_dim3A] : memref<128x256xf32, #tpu.memory_space<vmem>>[vector<16xi32>, vector<16xi32>], vector<16xf32>,
          %mul3A_288 = arith.mulf %get3A_253, %gather3A_287 : vector<16xf32>
          %add3A_289 = arith.addf %add3A_286, %mul3A_288 : vector<16xf32>
          %gather3A_290 = tpu.vector_load_idx %arg8[%add3A_47, %broadcast_in_dim3A] : memref<128x256xf32, #tpu.memory_space<vmem>>[vector<16xi32>, vector<16xi32>], vector<16xf32>,
          %mul3A_291 = arith.mulf %get3A_257, %gather3A_290 : vector<16xf32>
          %add3A_292 = arith.addf %add3A_289, %mul3A_291 : vector<16xf32>
          %gather3A_293 = tpu.vector_load_idx %arg8[%add3A_50, %broadcast_in_dim3A] : memref<128x256xf32, #tpu.memory_space<vmem>>[vector<16xi32>, vector<16xi32>], vector<16xf32>,
          %mul3A_294 = arith.mulf %get3A_261, %gather3A_293 : vector<16xf32>
          %add3A_295 = arith.addf %add3A_292, %mul3A_294 : vector<16xf32>
          %gather3A_296 = tpu.vector_load_idx %arg8[%add3A_53, %broadcast_in_dim3A] : memref<128x256xf32, #tpu.memory_space<vmem>>[vector<16xi32>, vector<16xi32>], vector<16xf32>,
          %mul3A_297 = arith.mulf %get3A_265, %gather3A_296 : vector<16xf32>
          %add3A_298 = arith.addf %add3A_295, %mul3A_297 : vector<16xf32>
          %gather3A_299 = tpu.vector_load_idx %arg8[%add3A_56, %broadcast_in_dim3A] : memref<128x256xf32, #tpu.memory_space<vmem>>[vector<16xi32>, vector<16xi32>], vector<16xf32>,
          %mul3A_300 = arith.mulf %get3A_269, %gather3A_299 : vector<16xf32>
          %add3A_301 = arith.addf %add3A_298, %mul3A_300 : vector<16xf32>
          %swap3A_302 = arith.index_cast %scan3A_278 : i32 to index
          %swap3A_303 = arith.index_cast %mul3A_237 : i32 to index
          %swap3A_304 = tpu.vector_load %arg9[%swap3A_302, %swap3A_303] {strides = array<i32>} : memref<256x128xf32, #tpu.memory_space<vmem>>, vector<16xf32>,
          tpu.vector_store %arg9[%swap3A_302, %swap3A_303], %add3A_301 {strides = array<i32>} : memref<256x128xf32, #tpu.memory_space<vmem>>, vector<16xf32>,
          %scan3A_305 = arith.constant 0 : i32
          %scan3A_306 = arith.constant 1 : i32
          %scan3A_307 = arith.addi %scan3A_278, %scan3A_306 : i32
          %broadcast_in_dim3A_308 = vector.broadcast %scan3A_307 : i32 to vector<16xi32>
          %gather3A_309 = tpu.vector_load_idx %arg8[%add3A_35, %broadcast_in_dim3A_308] : memref<128x256xf32, #tpu.memory_space<vmem>>[vector<16xi32>, vector<16xi32>], vector<16xf32>,
          %mul3A_310 = arith.mulf %get3A_241, %gather3A_309 : vector<16xf32>
          %gather3A_311 = tpu.vector_load_idx %arg8[%add3A_38, %broadcast_in_dim3A_308] : memref<128x256xf32, #tpu.memory_space<vmem>>[vector<16xi32>, vector<16xi32>], vector<16xf32>,
          %mul3A_312 = arith.mulf %get3A_245, %gather3A_311 : vector<16xf32>
          %add3A_313 = arith.addf %mul3A_310, %mul3A_312 : vector<16xf32>
          %gather3A_314 = tpu.vector_load_idx %arg8[%add3A_41, %broadcast_in_dim3A_308] : memref<128x256xf32, #tpu.memory_space<vmem>>[vector<16xi32>, vector<16xi32>], vector<16xf32>,
          %mul3A_315 = arith.mulf %get3A_249, %gather3A_314 : vector<16xf32>
          %add3A_316 = arith.addf %add3A_313, %mul3A_315 : vector<16xf32>
          %gather3A_317 = tpu.vector_load_idx %arg8[%add3A_44, %broadcast_in_dim3A_308] : memref<128x256xf32, #tpu.memory_space<vmem>>[vector<16xi32>, vector<16xi32>], vector<16xf32>,
          %mul3A_318 = arith.mulf %get3A_253, %gather3A_317 : vector<16xf32>
          %add3A_319 = arith.addf %add3A_316, %mul3A_318 : vector<16xf32>
          %gather3A_320 = tpu.vector_load_idx %arg8[%add3A_47, %broadcast_in_dim3A_308] : memref<128x256xf32, #tpu.memory_space<vmem>>[vector<16xi32>, vector<16xi32>], vector<16xf32>,
          %mul3A_321 = arith.mulf %get3A_257, %gather3A_320 : vector<16xf32>
          %add3A_322 = arith.addf %add3A_319, %mul3A_321 : vector<16xf32>
          %gather3A_323 = tpu.vector_load_idx %arg8[%add3A_50, %broadcast_in_dim3A_308] : memref<128x256xf32, #tpu.memory_space<vmem>>[vector<16xi32>, vector<16xi32>], vector<16xf32>,
          %mul3A_324 = arith.mulf %get3A_261, %gather3A_323 : vector<16xf32>
          %add3A_325 = arith.addf %add3A_322, %mul3A_324 : vector<16xf32>
          %gather3A_326 = tpu.vector_load_idx %arg8[%add3A_53, %broadcast_in_dim3A_308] : memref<128x256xf32, #tpu.memory_space<vmem>>[vector<16xi32>, vector<16xi32>], vector<16xf32>,
          %mul3A_327 = arith.mulf %get3A_265, %gather3A_326 : vector<16xf32>
          %add3A_328 = arith.addf %add3A_325, %mul3A_327 : vector<16xf32>
          %gather3A_329 = tpu.vector_load_idx %arg8[%add3A_56, %broadcast_in_dim3A_308] : memref<128x256xf32, #tpu.memory_space<vmem>>[vector<16xi32>, vector<16xi32>], vector<16xf32>,
          %mul3A_330 = arith.mulf %get3A_269, %gather3A_329 : vector<16xf32>
          %add3A_331 = arith.addf %add3A_328, %mul3A_330 : vector<16xf32>
          %swap3A_332 = arith.index_cast %scan3A_307 : i32 to index
          %swap3A_333 = arith.index_cast %mul3A_237 : i32 to index
          %swap3A_334 = tpu.vector_load %arg9[%swap3A_332, %swap3A_333] {strides = array<i32>} : memref<256x128xf32, #tpu.memory_space<vmem>>, vector<16xf32>,
          tpu.vector_store %arg9[%swap3A_332, %swap3A_333], %add3A_331 {strides = array<i32>} : memref<256x128xf32, #tpu.memory_space<vmem>>, vector<16xf32>,
          %scan3A_335 = arith.constant 0 : i32
          scf.yield %scan3A_335 : i32
        }
        %scan3A_276 = arith.constant 256 : i32
        %scan3A_277 = arith.constant 0 : i32
        scf.yield %scan3A_277 : i32
      }
      %scan3A_71 = arith.constant 8 : i32
      %mul3A_72 = arith.constant 128 : i32
      %mul3A_73 = arith.muli %scan3A_63, %mul3A_72 : i32
      %add3A_74 = arith.addi %mul3A_32, %mul3A_73 : i32
      "tpu.region"() ({
        %run_scoped3A = tpu.sem_alloc : memref<!tpu.dma_semaphore, #tpu.memory_space<semaphore_mem>>
        %dma_start3A = arith.constant 0 : i32
        %dma_start3A_76 = tpu.memref_slice %arg4[%select_n3A, %dma_start3A, %add3A_74] : memref<4x256x16384xf32, #tpu.memory_space<hbm>> -> memref<1x256x128xf32, #tpu.memory_space<hbm>>
        %dma_start3A_77 = tpu.memref_squeeze %dma_start3A_76 : memref<1x256x128xf32, #tpu.memory_space<hbm>> -> memref<256x128xf32, #tpu.memory_space<hbm>>
        %dma_start3A_78 = arith.constant 0 : i32
        %dma_start3A_79 = tpu.memref_slice %arg4[%select_n3A, %dma_start3A_78, %add3A_74] : memref<4x256x16384xf32, #tpu.memory_space<hbm>> -> memref<1x256x128xf32, #tpu.memory_space<hbm>>
        %dma_start3A_80 = tpu.memref_squeeze %dma_start3A_79 : memref<1x256x128xf32, #tpu.memory_space<hbm>> -> memref<256x128xf32, #tpu.memory_space<hbm>>
        tpu.enqueue_dma source(%arg9 : memref<256x128xf32, #tpu.memory_space<vmem>>) target(%dma_start3A_80 : memref<256x128xf32, #tpu.memory_space<hbm>>) target_semaphore(%run_scoped3A : memref<!tpu.dma_semaphore, #tpu.memory_space<semaphore_mem>>)
        %dma_wait3A = arith.constant 0 : i32
        %dma_wait3A_81 = tpu.memref_slice %arg4[%select_n3A, %dma_wait3A, %add3A_74] : memref<4x256x16384xf32, #tpu.memory_space<hbm>> -> memref<1x256x128xf32, #tpu.memory_space<hbm>>
        %dma_wait3A_82 = tpu.memref_squeeze %dma_wait3A_81 : memref<1x256x128xf32, #tpu.memory_space<hbm>> -> memref<256x128xf32, #tpu.memory_space<hbm>>
        %dma_wait3A_83 = arith.constant 0 : i32
        %dma_wait3A_84 = tpu.memref_slice %arg4[%select_n3A, %dma_wait3A_83, %add3A_74] : memref<4x256x16384xf32, #tpu.memory_space<hbm>> -> memref<1x256x128xf32, #tpu.memory_space<hbm>>
        %dma_wait3A_85 = tpu.memref_squeeze %dma_wait3A_84 : memref<1x256x128xf32, #tpu.memory_space<hbm>> -> memref<256x128xf32, #tpu.memory_space<hbm>>
        tpu.wait_dma2 semaphore(%run_scoped3A : memref<!tpu.dma_semaphore, #tpu.memory_space<semaphore_mem>>) src(%arg9 : memref<256x128xf32, #tpu.memory_space<vmem>>) dst(%dma_wait3A_85 : memref<256x128xf32, #tpu.memory_space<hbm>>)
        tpu.yield
      }) : () -> ()
      %scan3A_75 = arith.constant 0 : i32
      scf.yield %scan3A_75 : i32
    }
    %scan3A_62 = arith.constant 16 : i32
    return
  }
}

</mosaic_0001>

<sc_bundles>
// kernel: kernel.3.cloned.1.call-start
scs
__scs_entry_jumppad:
0x0: {  	(pc) =	sbr.rel $0x88, $3  }
0x1: {  	(tag) =	ssettag $0x0;
	lr =	simm.s32 $0x1  }
0x2: {  	[smem:$0x3F9F] =	sst lr;
	_ =	strace $0xD0000000  }
0x3: {  	_ = 	snop  }
0x4: {  	_ = 	snop  }
0x5: {  	_ = 	snop  }
0x6: {  	_ = 	snop  }
0x7: {  	_ = 	snop  }
__scs_overlays_trampoline_lowered:
0x8: {  	[smem:$0x3FAE] =	sst s0  }
0x9: {  	[smem:$0x3FAF] =	sst s1  }
0xa: {  	[smem:$0x3FB0] =	sst s2  }
0xb: {  	[smem:$0x3FB1] =	sst s3  }
0xc: {  	[smem:$0x3FB2] =	sst s4  }
0xd: {  	[smem:$0x3FB3] =	sst s5  }
0xe: {  	[smem:$0x3FB4] =	sst s6  }
0xf: {  	[smem:$0x3FB5] =	sst s7  }
0x10: {  	[smem:$0x3FB6] =	sst s8  }
0x11: {  	[smem:$0x3FB7] =	sst s9;
	s0 =	simm.s32 @!p0 $0x0  }
0x12: {  	s1 =	sld [smem:$0x3F9D];
	s0 =	simm.s32 @p0 $0x1  }
0x13: {  	[smem:$0x3FB8] =	sst s0;
	s0 =	simm.s32 @!p1 $0x0  }
0x14: {  	s2 =	sld [smem:$0x3F9C];
	s0 =	simm.s32 @p1 $0x1  }
0x15: {  	[smem:$0x3FB9] =	sst s0;
	s0 =	simm.s32 @!p2 $0x0  }
0x16: {  	s3 =	sld [smem:$0x3FDB];
	s0 =	simm.s32 @p2 $0x1  }
0x17: {  	s4 =	simm.s32 $0x1BF5;
	[smem:$0x3FBB] =	sst s0  }
0x18: {  	s0 =	sld [smem:$0x3F9E];
	_ =	swait.ge [sflag:s4], $0x0  }
0x19: {  	s7 =	sld [smem:$0x3F9F]  }
0x1a: {  	s8 =	sadd.s32 $0xFFFFE003, lr  }
0x1b: {  	s9 =	sadd.s32 $0xFFFFFEF7, lr;
	s5 =	simm.s32 $0xFFFFFFFF;
	p2 =	slt.u32 s8, $0xFFFFF086  }
0x1c: {  	p1 =	slt.u32 s9, $0xF7A;
	s5 =	simm.s32 @!p2 $0x0  }
0x1d: {  	s5 =	simm.s32 @p1 $0x1;
	p0 =	seq.s32 s7, s2  }
0x1e: {  	s7 =	smul.u32 @!p0 $0xF7A, s2;
	p2 =	seq.s32 @!p0 s5, $0x0  }
0x1f: {  	s9 =	smul.u32 $0xF7A, s1;
	s8 =	simm.s32 @!p0 $0x1BF5;
	p2 =	por !p2, p0  }
0x20: {  	[sflag:s8] =	ssyncset.s32 @!p0 $0xFFFFF086;
	s6 =	sadd.s32 @!p0 s3, s7;
	s7 =	simm.s32 @!p0 $0x108  }
0x21: {  	s3 =	sadd.s32 s3, s9;
	s6 =	sadd.s32 @!p0 $0x88, s6;
	s7 =	simm.s32 @p2 $0x1082  }
0x22: {  	[simem:s7], [sflag:s8] =	dma.local @!p0 [hbm:s6], $0xF7A  }
0x23: {  	s9 =	sor.u32 $0xD0000000, s2;
	s6 =	simm.s32 $0x108;
	_ =	swait.ge @!p0 [sflag:s8], $0x0  }
0x24: {  	s3 =	sadd.s32 $0x88, s3;
	s6 =	simm.s32 @!p1 $0x1082;
	[sflag:s4] =	ssyncset.s32 $0xFFFFF086  }
0x25: {  	[simem:s6], [sflag:s4] =	dma.local [hbm:s3], $0xF7A  }
0x26: {  	[smem:$0x3F9F] =	sst s1;
	(tag) =	ssettag s2;
	_ =	strace s9  }
0x27: {  	s1 =	sld [smem:$0x3FAF]  }
0x28: {  	s2 =	sld [smem:$0x3FB0]  }
0x29: {  	s4 =	sld [smem:$0x3FB2]  }
0x2a: {  	p0 =	seq.s32 s5, $0x0;
	s5 =	sld [smem:$0x3FB3]  }
0x2b: {  	s6 =	sld [smem:$0x3FB4]  }
0x2c: {  	s7 =	sld [smem:$0x3FB5]  }
0x2d: {  	s3 =	simm.s32 $0x108;
	s8 =	sld [smem:$0x3FB6]  }
0x2e: {  	s3 =	simm.s32 @!p0 $0x1082;
	s9 =	sld [smem:$0x3FB7]  }
0x2f: {  	lr =	sadd.s32 s0, s3;
	s0 =	sld [smem:$0x3FAE]  }
0x30: {  	s3 =	sld [smem:$0x3FB1]  }
0x31: {  	[smem:$0x3FBA] =	sst s10  }
0x32: {  	s10 =	sld [smem:$0x3FB8];
	_ =	sdelay $0x3  }
0x33: {  	p0 =	seq.s32 s10, $0x1;
	s10 =	sld [smem:$0x3FBA];
	_ =	sdelay $0x3  }
0x34: {  	[smem:$0x3FBA] =	sst s10  }
0x35: {  	s10 =	sld [smem:$0x3FB9];
	_ =	sdelay $0x3  }
0x36: {  	p1 =	seq.s32 s10, $0x1;
	s10 =	sld [smem:$0x3FBA];
	_ =	sdelay $0x3  }
0x37: {  	[smem:$0x3FBA] =	sst s10  }
0x38: {  	s10 =	sld [smem:$0x3FBB]  }
0x39: {  	_ = 	snop;
	(pc) =	sbr.ind lr, $3  }
0x3a: {  	_ = 	snop  }
0x3b: {  	_ = 	snop  }
0x3c: {  	p2 =	seq.s32 s10, $0x1;
	s10 =	sld [smem:$0x3FBA]  }
0x3d: {  	_ =	shalt  }
0x3e: {  	_ =	shalt  }
0x3f: {  	_ =	shalt  }
0x40: {  	_ =	shalt  }
0x41: {  	_ =	shalt  }
0x42: {  	_ =	shalt  }
0x43: {  	_ =	shalt  }
0x44: {  	_ =	shalt  }
0x45: {  	_ =	shalt  }
0x46: {  	_ =	shalt  }
0x47: {  	_ =	shalt  }
0x48: {  	_ =	shalt  }
0x49: {  	_ =	shalt  }
0x4a: {  	_ =	shalt  }
0x4b: {  	_ =	shalt  }
0x4c: {  	_ =	shalt  }
0x4d: {  	_ =	shalt  }
0x4e: {  	_ =	shalt  }
0x4f: {  	_ =	shalt  }
0x50: {  	_ =	shalt  }
0x51: {  	_ =	shalt  }
0x52: {  	_ =	shalt  }
0x53: {  	_ =	shalt  }
0x54: {  	_ =	shalt  }
0x55: {  	_ =	shalt  }
0x56: {  	_ =	shalt  }
0x57: {  	_ =	shalt  }
0x58: {  	_ =	shalt  }
0x59: {  	_ =	shalt  }
0x5a: {  	_ =	shalt  }
0x5b: {  	_ =	shalt  }
0x5c: {  	_ =	shalt  }
0x5d: {  	_ =	shalt  }
0x5e: {  	_ =	shalt  }
0x5f: {  	_ =	shalt  }
0x60: {  	_ =	shalt  }
0x61: {  	_ =	shalt  }
0x62: {  	_ =	shalt  }
0x63: {  	_ =	shalt  }
0x64: {  	_ =	shalt  }
0x65: {  	_ =	shalt  }
0x66: {  	_ =	shalt  }
0x67: {  	_ =	shalt  }
0x68: {  	_ =	shalt  }
0x69: {  	_ =	shalt  }
0x6a: {  	_ =	shalt  }
0x6b: {  	_ =	shalt  }
0x6c: {  	_ =	shalt  }
0x6d: {  	_ =	shalt  }
0x6e: {  	_ =	shalt  }
0x6f: {  	_ =	shalt  }
0x70: {  	_ =	shalt  }
0x71: {  	_ =	shalt  }
0x72: {  	_ =	shalt  }
0x73: {  	_ =	shalt  }
0x74: {  	_ =	shalt  }
0x75: {  	_ =	shalt  }
0x76: {  	_ =	shalt  }
0x77: {  	_ =	shalt  }
0x78: {  	_ =	shalt  }
0x79: {  	_ =	shalt  }
0x7a: {  	_ =	shalt  }
0x7b: {  	_ =	shalt  }
0x7c: {  	_ =	shalt  }
0x7d: {  	_ =	shalt  }
0x7e: {  	_ =	shalt  }
0x7f: {  	_ =	shalt  }
0x80: {  	_ =	shalt  }
0x81: {  	_ =	shalt  }
0x82: {  	_ =	shalt  }
0x83: {  	_ =	shalt  }
0x84: {  	_ =	shalt  }
0x85: {  	_ =	shalt  }
0x86: {  	_ =	shalt  }
0x87: {  	_ =	shalt  }
.Lfunc_end0:
.L_simem_size_0:
called_computation_lowered:
.L_overlay_start_0:
0x88: {  	s2 =	sld [smem:$0x3FD9]  }
0x89: {  	s3 =	sld [smem:$0x3FFE];
	_ =	sdelay $0x1  }
0x8a: {  	s1 =	srdreg.scid  }
0x8b: {  	s0 =	sand.u32 $0x1, s1  }
0x8c: {  	s17 =	sshll.u32 s0, $0xA;
	s2 =	sadd.s32 s3, s2  }
0x8d: {  	s2 =	sadd.s32 s2, s17  }
0x8e: {  	[smem:$0x3FC6] =	sst s2  }
0x8f: {  	_ = 	snop  }
0x90: {  	s2 =	sld [smem:$0x3FC9]  }
0x91: {  	s18 =	sld [smem:$0x3FD0];
	(tm) =	ssettm $0x1  }
0x92: {  	s4 =	sld [smem:$0x3FFB];
	_ =	sdelay $0x3  }
0x93: {  	_ =	strace s4  }
0x94: {  	s4 =	sld [smem:$0x3FFC];
	_ =	sdelay $0x3  }
0x95: {  	_ =	strace s4  }
0x96: {  	s4 =	sld [smem:$0x3FFD];
	_ =	sdelay $0x3  }
0x97: {  	_ =	strace s4  }
0x98: {  	_ =	strace $0x8FFFFFFF  }
0x99: {  	s19 =	sld [smem:$0x3FDB];
	_ =	sdelay $0x1  }
0x9a: {  	s5 =	simm.s32 $_scs_section_size  }
0x9b: {  	s6 =	simm.s32 $_size__tile_overlayer_lowered;
	s7 =	simm.s32 $_tile_overlayer_lowered  }
0x9c: {  	s22 =	simm.s32 $0x1BFF;
	s21 =	sshll.u32 s7, $0x1;
	s4 =	sadd.s32 s5, s19  }
0x9d: {  	s8 =	simm.s32 $0x0;
	s20 =	sshll.u32 s6, $0x1;
	s6 =	sadd.s32 s21, s4  }
0x9e: {  	[timem:s8], [sflag:s22] =	dma.local [hbm:s6], s20  }
0x9f: {  	_ =	swait.ge [sflag:s22], s20  }
0xa0: {  	s5 =	ssub.s32 $0x0, s20;
	[sflag:s22] =	ssyncset.done $0x0  }
0xa1: {  	[sflag:s22] =	ssyncadd.s32 s5;
	_ =	sdelay $0x1  }
0xa2: {  	s23 =	simm.s32 $0x1B8B  }
0xa3: {  	_ =	swait.ge [sflag:s23], $0x1  }
0xa4: {  	[sflag:s23] =	ssyncset.done $0x0  }
0xa5: {  	s25 =	simm.s32 $0x1B8E;
	s24 =	sld [smem:$0x3FFE];
	[sflag:s23] =	ssyncadd.s32 $0xFFFFFFFF  }
0xa6: {  	s26 =	simm.s32 $execute0_lowered;
	[smem:$0x3FD2] =	sst s25  }
0xa7: {  	s6 =	sshll.u32 s26, $0x1;
	_ =	strace $0x80000046;
	[dreg:$0x1] =	wrdreg $0xFFFFFFFF  }
0xa8: {  	s28 =	simm.s32 $_size_execute0_lowered;
	s4 =	sadd.s32 s4, s6;
	[dreg:$0x0] =	wrdreg $0x0  }
0xa9: {  	s6 =	sshll.u32 s28, $0x1;
	[dreg:$0x2] =	wrdreg s4  }
0xaa: {  	[dreg:$0x3] =	wrdreg s6  }
0xab: {  	[dreg:$0x4] =	wrdreg $0xC0  }
0xac: {  	_ =	task [dreg:s8], $0x5FFFF  }
0xad: {  	[dreg:$0x1] =	wrdreg $0xFFFFFFFF  }
0xae: {  	[dreg:$0x0] =	wrdreg $0x60  }
0xaf: {  	[dreg:$0x2] =	wrdreg s2  }
0xb0: {  	[dreg:$0x3] =	wrdreg s24  }
0xb1: {  	[dreg:$0x4] =	wrdreg s18  }
0xb2: {  	[dreg:$0x5] =	wrdreg $0x9  }
0xb3: {  	_ =	task.clear_ibuf [dreg:s8], $0x6FFFF;
	_ =	strace $0x90000046  }
0xb4: {  	s29 =	simm.s32 $0x9;
	_ =	strace $0x80000048  }
0xb5: {  	_ =	swait.ge [sflag:s29], $0x1  }
0xb6: {  	[sflag:s29] =	ssyncadd.s32 $0xFFFFFFFF  }
0xb7: {  	_ =	strace $0x90000048  }
0xb8: {  	_ =	sfence  }
0xb9: {  	s30 =	sld [smem:$0x0];
	_ =	sdelay $0x2  }
0xba: {  	s31 =	sshll.u32 s1, $0xD;
	s1 =	sshrl.u32 s1, $0x2  }
0xbb: {  	s3 =	sand.u32 $0x4000, s31;
	s1 =	sadd.s32 s1, s30  }
0xbc: {  	s0 =	sor.u32 s3, s0;
	s1 =	sshll.u32 s1, $0x11  }
0xbd: {  	s0 =	sor.u32 s1, s0  }
0xbe: {  	s0 =	sadd.s32 $0x8F2B, s0  }
0xbf: {  	[sflag:s0] =	ssyncadd.remote.s32 $0x1  }
0xc0: {  	_ =	sfence.sel $0xFFFF  }
0xc1: {  	[dreg:$0x0] =	wrdreg $0xFFFFFFFF;
	(pc) =	sbr.abs _section_cstart, $3  }
0xc2: {  	[dreg:$0x1] =	wrdreg $0xFFFFFFFF  }
0xc3: {  	_ =	task.clear_ibuf [dreg:s8], $0x2FFFF;
	_ =	strace $0x9FFFFFFF  }
0xc4: {  	(tm) =	ssettm $0x7FFFFFFF  }
0xc5: {  	_ =	shalt  }
tec
execute0_lowered:
.L_overlay_start_1:
0x0: {  	(tag) =	ssettag $0x1  }
0x1: {  	v3 =	vlaneseq.u32;
	vm0 =	vmmov $0xffff;
	v4 =	vimm.s32 $0xB80  }
0x2: {  	vm15 =	vcmask $0x300;
	v5 =	vimm.s32 $0x1B80;
	vm14 =	vcmask $0x704  }
0x3: {  	vm13 =	vcmask $0xB08;
	vm12 =	vcmask $0xF0C;
	vm11 =	vcmask $0x1310  }
0x4: {  	vm10 =	vcmask $0x1714;
	vm9 =	vcmask $0x1B18;
	vm8 =	vcmask $0x1F1C  }
0x5: {  	vm7 =	vcmask $0x2320;
	vm6 =	vcmask $0x2724;
	vm5 =	vcmask $0x2B28  }
0x6: {  	vm4 =	vcmask $0x2F2C;
	vm3 =	vcmask $0x3330;
	vm2 =	vcmask $0x3734  }
0x7: {  	vm1 =	vcmask $0x3B38;
	v6 =	vimm.s32 $0x2B80;
	v7 =	vimm.s32 $0x3B80  }
0x8: {  	v8 =	vimm.s32 $0x4B80;
	v9 =	vimm.s32 $0x5B80;
	v10 =	vimm.s32 $0x6B80  }
0x9: {  	v11 =	vimm.s32 $0x7B80;
	v2 =	vshrl.u32 v3, $0x3;
	v1 =	vand.u32 $0x7, v3  }
0xa: {  	v4 =	vsel vm15, $0x0, v4;
	v5 =	vsel vm15, $0x1000, v5;
	v3 =	vor.u32 $0x8, v3  }
0xb: {  	v6 =	vsel vm15, $0x2000, v6;
	v7 =	vsel vm15, $0x3000, v7;
	v8 =	vsel vm15, $0x4000, v8  }
0xc: {  	v9 =	vsel vm15, $0x5000, v9;
	v10 =	vsel vm15, $0x6000, v10;
	v11 =	vsel vm15, $0x7000, v11  }
0xd: {  	s5 =	stileid.u32;
	v2 =	vmul.u32 $0x8, v2;
	v4 =	vsel vm14, $0x80, v4;
	v5 =	vsel vm14, $0x1080, v5  }
0xe: {  	s0 =	sshrl.u32 s5, $0x2;
	v6 =	vsel vm14, $0x2080, v6;
	v7 =	vsel vm14, $0x3080, v7;
	v8 =	vsel vm14, $0x4080, v8  }
0xf: {  	s1 =	sshll.u32 s0, $0xF;
	v9 =	vsel vm14, $0x5080, v9;
	v10 =	vsel vm14, $0x6080, v10;
	v11 =	vsel vm14, $0x7080, v11  }
0x10: {  	v0 =	vmov s1;
	v4 =	vsel vm13, $0x100, v4;
	v5 =	vsel vm13, $0x1100, v5  }
0x11: {  	v6 =	vsel vm13, $0x2100, v6;
	v7 =	vsel vm13, $0x3100, v7;
	v8 =	vsel vm13, $0x4100, v8  }
0x12: {  	v9 =	vsel vm13, $0x5100, v9;
	v10 =	vsel vm13, $0x6100, v10;
	v11 =	vsel vm13, $0x7100, v11  }
0x13: {  	v4 =	vsel vm12, $0x180, v4;
	v5 =	vsel vm12, $0x1180, v5;
	v6 =	vsel vm12, $0x2180, v6  }
0x14: {  	v7 =	vsel vm12, $0x3180, v7;
	v8 =	vsel vm12, $0x4180, v8;
	v9 =	vsel vm12, $0x5180, v9  }
0x15: {  	v10 =	vsel vm12, $0x6180, v10;
	v11 =	vsel vm12, $0x7180, v11;
	v4 =	vsel vm11, $0x200, v4  }
0x16: {  	v5 =	vsel vm11, $0x1200, v5;
	v6 =	vsel vm11, $0x2200, v6;
	v7 =	vsel vm11, $0x3200, v7  }
0x17: {  	v8 =	vsel vm11, $0x4200, v8;
	v9 =	vsel vm11, $0x5200, v9;
	v10 =	vsel vm11, $0x6200, v10  }
0x18: {  	v11 =	vsel vm11, $0x7200, v11;
	v4 =	vsel vm10, $0x280, v4;
	v5 =	vsel vm10, $0x1280, v5  }
0x19: {  	v6 =	vsel vm10, $0x2280, v6;
	v7 =	vsel vm10, $0x3280, v7;
	v8 =	vsel vm10, $0x4280, v8  }
0x1a: {  	v9 =	vsel vm10, $0x5280, v9;
	v10 =	vsel vm10, $0x6280, v10;
	v11 =	vsel vm10, $0x7280, v11  }
0x1b: {  	v4 =	vsel vm9, $0x300, v4;
	v5 =	vsel vm9, $0x1300, v5;
	v6 =	vsel vm9, $0x2300, v6  }
0x1c: {  	v7 =	vsel vm9, $0x3300, v7;
	v8 =	vsel vm9, $0x4300, v8;
	v9 =	vsel vm9, $0x5300, v9  }
0x1d: {  	v10 =	vsel vm9, $0x6300, v10;
	v11 =	vsel vm9, $0x7300, v11;
	v4 =	vsel vm8, $0x380, v4  }
0x1e: {  	v5 =	vsel vm8, $0x1380, v5;
	v6 =	vsel vm8, $0x2380, v6;
	v7 =	vsel vm8, $0x3380, v7  }
0x1f: {  	v8 =	vsel vm8, $0x4380, v8;
	v9 =	vsel vm8, $0x5380, v9;
	v10 =	vsel vm8, $0x6380, v10  }
0x20: {  	v11 =	vsel vm8, $0x7380, v11;
	v4 =	vsel vm7, $0x800, v4;
	v5 =	vsel vm7, $0x1800, v5  }
0x21: {  	v6 =	vsel vm7, $0x2800, v6;
	v7 =	vsel vm7, $0x3800, v7;
	v8 =	vsel vm7, $0x4800, v8  }
0x22: {  	s2 =	rddreg [dreg:$0x1];
	v9 =	vsel vm7, $0x5800, v9;
	v10 =	vsel vm7, $0x6800, v10;
	v11 =	vsel vm7, $0x7800, v11  }
0x23: {  	s3 =	rddreg [dreg:$0x2];
	v4 =	vsel vm6, $0x880, v4;
	v5 =	vsel vm6, $0x1880, v5;
	v6 =	vsel vm6, $0x2880, v6  }
0x24: {  	s4 =	simm.s32 $0x0;
	s28 =	srdreg.scid;
	s8 =	simm.s32 $0x2480;
	v7 =	vsel vm6, $0x3880, v7;
	v8 =	vsel vm6, $0x4880, v8;
	v9 =	vsel vm6, $0x5880, v9  }
0x25: {  	s9 =	simm.s32 $0x2C80;
	s10 =	simm.s32 $0x3480;
	s11 =	simm.s32 $0x3C80;
	v10 =	vsel vm6, $0x6880, v10;
	v11 =	vsel vm6, $0x7880, v11;
	v4 =	vsel vm5, $0x900, v4  }
0x26: {  	s12 =	simm.s32 $0x4480;
	s13 =	simm.s32 $0x4C80;
	s14 =	simm.s32 $0x5480;
	v5 =	vsel vm5, $0x1900, v5;
	v6 =	vsel vm5, $0x2900, v6;
	v7 =	vsel vm5, $0x3900, v7  }
0x27: {  	s15 =	simm.s32 $0x5C80;
	s16 =	simm.s32 $0x6480;
	s17 =	simm.s32 $0x6C80;
	v8 =	vsel vm5, $0x4900, v8;
	v9 =	vsel vm5, $0x5900, v9;
	v10 =	vsel vm5, $0x6900, v10  }
0x28: {  	s18 =	simm.s32 $0x7480;
	s19 =	simm.s32 $0x7C80;
	s20 =	simm.s32 $0x8480;
	v11 =	vsel vm5, $0x7900, v11;
	v4 =	vsel vm4, $0x980, v4;
	v5 =	vsel vm4, $0x1980, v5  }
0x29: {  	s21 =	simm.s32 $0x8C80;
	s22 =	simm.s32 $0x9480;
	s23 =	simm.s32 $0x9C80;
	v6 =	vsel vm4, $0x2980, v6;
	v7 =	vsel vm4, $0x3980, v7;
	v8 =	vsel vm4, $0x4980, v8  }
0x2a: {  	s25 =	simm.s32 $0x20000;
	s26 =	simm.s32 $0xA480;
	s30 =	simm.s32 $0x0;
	v9 =	vsel vm4, $0x5980, v9;
	v10 =	vsel vm4, $0x6980, v10;
	v11 =	vsel vm4, $0x7980, v11  }
0x2b: {  	[smem:$0x7FF] =	sst s4;
	s4 =	sand.u32 $0x1, s28;
	s5 =	sshll.u32 s5, $0x1;
	v4 =	vsel vm3, $0xA00, v4;
	v5 =	vsel vm3, $0x1A00, v5;
	v6 =	vsel vm3, $0x2A00, v6  }
0x2c: {  	s6 =	sshll.u32 s0, $0xD;
	s7 =	ssub.s32 $0x2, s4;
	s5 =	sand.u32 $0x6, s5;
	v7 =	vsel vm3, $0x3A00, v7;
	v8 =	vsel vm3, $0x4A00, v8;
	v9 =	vsel vm3, $0x5A00, v9  }
0x2d: {  	s0 =	sshll.u32 s0, $0x13;
	s1 =	rddreg [dreg:$0x0];
	_ =	strace $0x80000047;
	v10 =	vsel vm3, $0x6A00, v10;
	v11 =	vsel vm3, $0x7A00, v11;
	v4 =	vsel vm2, $0xA80, v4  }
0x2e: {  	s2 =	sadd.s32 s6, s2;
	s29 =	sshrl.u32 s7, $0x1;
	s4 =	sor.u32 s4, s5;
	v5 =	vsel vm2, $0x1A80, v5;
	v6 =	vsel vm2, $0x2A80, v6;
	v7 =	vsel vm2, $0x3A80, v7  }
0x2f: {  	s0 =	sadd.s32 s3, s0;
	s6 =	ssub.s32 s7, s29;
	s5 =	sshll.u32 s4, $0xA;
	v8 =	vsel vm2, $0x4A80, v8;
	v9 =	vsel vm2, $0x5A80, v9;
	v10 =	vsel vm2, $0x6A80, v10  }
0x30: {  	s4 =	sshll.u32 s4, $0xB;
	s2 =	sadd.s32 s5, s2;
	s31 =	smax.u32 s6, $0x1;
	v11 =	vsel vm2, $0x7A80, v11;
	v4 =	vsel vm1, $0xB00, v4;
	v5 =	vsel vm1, $0x1B00, v5  }
0x31: {  	s7 =	simm.s32 $0x1;
	s2 =	sadd.s32 $0x400, s2;
	[dreg:$0x5] =	wrdreg s31;
	v6 =	vsel vm1, $0x2B00, v6;
	v7 =	vsel vm1, $0x3B00, v7;
	v8 =	vsel vm1, $0x4B00, v8  }
0x32: {  	s5 =	sadd.s32 s4, s0;
	[dreg:$0x4] =	wrdreg s2;
	s2 =	simm.s32 $0x0;
	v9 =	vsel vm1, $0x5B00, v9;
	v10 =	vsel vm1, $0x6B00, v10;
	v11 =	vsel vm1, $0x7B00, v11  }
.LBB2_1:
0x33: {  	[dreg:$0x6] =	wrdreg s2  }
0x34: {  	s0 =	simm.s32 $0x0;
	s31 =	rddreg [dreg:$0x4]  }
0x35: {  	[tilespmem:s0], [sflag:$0x1] =	stream.linear.gather [hbm4b:s31+s0], $0x2000, $0x38;
	[tilespmem:$0x12480] =	vst v63  }
0x36: {  	_ =	swait.ge [sflag:s7], $0x2000  }
0x37: {  	[sflag:s7] =	ssyncset.done $0x0  }
0x38: {  	s29 =	simm.s32 $0x0;
	[sflag:s7] =	ssyncadd.s32 $0xFFFFE000  }
.LBB2_2:
0x39: {  	s0 =	sshll.u32 s29, $0x9  }
0x3a: {  	s0 =	sand.u32 $0x3FFFFE00, s0  }
0x3b: {  	s6 =	simm.s32 $0xA500;
	s2 =	simm.s32 $0x0;
	v12 =	vmov s0  }
.LBB2_3:
0x3c: {  	_ =	sdelay $0x2  }
0x3d: {  	s0 =	sshll.u32 s2, $0x4  }
0x3e: {  	v13 =	vld.idx.msk [tilespmem:v12+s0+$0x0 ss:$0x1], $0xffff  }
0x3f: {  	v14 =	vld.idx.msk [tilespmem:v12+s0+$0x80 ss:$0x1], $0xffff  }
0x40: {  	v15 =	vld.idx.msk [tilespmem:v12+s0+$0x100 ss:$0x1], $0xffff;
	_ =	sdelay $0x3  }
0x41: {  	v13 =	vmax.f32 v13, $0.0e+00  }
0x42: {  	v14 =	vmax.f32 v14, $0.0e+00;
	v15 =	vmax.f32 v15, $0.0e+00;
	v13 =	vmin.f32 v13, $3.100000000e+01  }
0x43: {  	v14 =	vmin.f32 v14, $3.100000000e+01;
	v15 =	vmin.f32 v15, $3.100000000e+01;
	v16 =	vtrunc.f32 v13  }
0x44: {  	v17 =	vtrunc.f32 v14;
	v18 =	vtrunc.f32 v15  }
0x45: {  	v16 =	vcvt.f32.s32 v16;
	v17 =	vcvt.f32.s32 v17  }
0x46: {  	v18 =	vcvt.f32.s32 v18  }
0x47: {  	v19 =	vcvt.s32.f32 v16;
	v20 =	vcvt.s32.f32 v17  }
0x48: {  	v21 =	vcvt.s32.f32 v18;
	v25 =	vadd.s32 $0x1, v18  }
0x49: {  	v13 =	vsub.f32 v13, v19;
	v14 =	vsub.f32 v14, v20;
	v19 =	vadd.s32 $0x1, v16  }
0x4a: {  	v15 =	vsub.f32 v15, v21;
	v20 =	vadd.s32 $0x1, v17;
	v16 =	vshll.u32 v16, $0xA  }
0x4b: {  	v17 =	vshll.u32 v17, $0x5;
	vm2 =	vlt.s32 v20, $0x1F;
	v21 =	vsub.f32 $1.000000000e+00, v13  }
0x4c: {  	v16 =	vadd.s32 v0, v16;
	v22 =	vsub.f32 $1.000000000e+00, v14;
	v23 =	vsub.f32 $1.000000000e+00, v15  }
0x4d: {  	v20 =	vnsel vm2, $0x1F, v20;
	v26 =	vadd.s32 v17, v16;
	vm2 =	vlt.s32 v25, $0x1F  }
0x4e: {  	v27 =	vadd.s32 v18, v26;
	v25 =	vnsel vm2, $0x1F, v25;
	v20 =	vshll.u32 v20, $0x5  }
0x4f: {  	v24 =	vmul.f32 v22, v21;
	[tilespmem:$0x2000] =	vst v27;
	v26 =	vadd.s32 v26, v25;
	v16 =	vadd.s32 v16, v20  }
0x50: {  	vm1 =	vlt.s32 v19, $0x1F;
	v27 =	vld [tilespmem:$0x2000];
	[tilespmem:$0x2010] =	vst v26;
	v26 =	vadd.s32 v18, v16  }
0x51: {  	v21 =	vmul.f32 v14, v21;
	v16 =	vadd.s32 v25, v16;
	v28 =	vmul.f32 v23, v24;
	[tilespmem:$0x2020] =	vst v26  }
0x52: {  	v19 =	vnsel vm1, $0x1F, v19;
	v24 =	vmul.f32 v24, v15;
	[tilespmem:$0x2030] =	vst v16  }
0x53: {  	v19 =	vshll.u32 v19, $0xA;
	v22 =	vmul.f32 v22, v13;
	v62 =	vmul.f32 v23, v21;
	[tilespmem:$0x2080] =	vst v28  }
0x54: {  	v19 =	vadd.s32 v0, v19;
	v13 =	vmul.f32 v14, v13;
	v21 =	vmul.f32 v15, v21;
	[tilespmem:$0x2100] =	vst v24  }
0x55: {  	v17 =	vadd.s32 v17, v19;
	v26 =	vmul.f32 v23, v22;
	[tilespmem:$0x2180] =	vst v62;
	v16 =	vshll.u32 v27, $0x1  }
0x56: {  	v19 =	vadd.s32 v20, v19;
	[tilespmem:$0x2200] =	vst v21;
	v21 =	vand.u32 $0x7, v27;
	v16 =	vand.u32 $0xFFFFFFF0, v16  }
0x57: {  	v24 =	vadd.s32 v18, v17;
	[tilespmem:$0x2280] =	vst v26;
	v18 =	vadd.s32 v18, v19;
	v14 =	vor.u32 v21, v16  }
0x58: {  	[tilespmem:$0x2040] =	vst v24;
	v16 =	vadd.s32 v25, v17;
	v17 =	vmul.f32 v22, v15;
	v20 =	vperm.xlane v14, v1  }
0x59: {  	[tilespmem:$0x2060] =	vst v18  }
0x5a: {  	v14 =	vperm.xlane v14, v3;
	[tilespmem:$0x2300] =	vst v17;
	v17 =	vadd.s32 v2, v20  }
0x5b: {  	v18 =	vadd.s32 v25, v19;
	[tilespmem:$0x2050] =	vst v16;
	v16 =	vmul.f32 v23, v13  }
0x5c: {  	[tilespmem:$0x2070] =	vst v18;
	v13 =	vmul.f32 v15, v13;
	v14 =	vadd.s32 v2, v14  }
0x5d: {  	[tilespmem:$0x2380] =	vst v16  }
0x5e: {  	[tilespmem:$0x2400] =	vst v13  }
0x5f: {  	[tilespmem:s8], [sflag:$0x1] =	stream.indirect_vreg.gather [hbm4b:s1+s30], $0x80, v17, vm0, $0xb8;
	[tilespmem:$0x12480] =	vst v63  }
0x60: {  	_ = 	snop  }
0x61: {  	[tilespmem:s9], [sflag:$0x1] =	stream.indirect_vreg.gather [hbm4b:s1+s30], $0x80, v14, vm0, $0xb8;
	[tilespmem:$0x12480] =	vst v63  }
0x62: {  	v13 =	vld [tilespmem:$0x2010];
	_ =	sdelay $0x4  }
0x63: {  	v14 =	vshll.u32 v13, $0x1  }
0x64: {  	v13 =	vand.u32 $0x7, v13;
	v14 =	vand.u32 $0xFFFFFFF0, v14  }
0x65: {  	v13 =	vor.u32 v13, v14  }
0x66: {  	v14 =	vperm.xlane v13, v1;
	_ =	sdelay $0x1  }
0x67: {  	v13 =	vperm.xlane v13, v3;
	v14 =	vadd.s32 v2, v14;
	_ =	sdelay $0x1  }
0x68: {  	v13 =	vadd.s32 v2, v13;
	_ =	sdelay $0x2  }
0x69: {  	[tilespmem:s10], [sflag:$0x1] =	stream.indirect_vreg.gather [hbm4b:s1+s30], $0x80, v14, vm0, $0xb8;
	[tilespmem:$0x12480] =	vst v63  }
0x6a: {  	_ = 	snop  }
0x6b: {  	[tilespmem:s11], [sflag:$0x1] =	stream.indirect_vreg.gather [hbm4b:s1+s30], $0x80, v13, vm0, $0xb8;
	[tilespmem:$0x12480] =	vst v63  }
0x6c: {  	v13 =	vld [tilespmem:$0x2020];
	_ =	sdelay $0x4  }
0x6d: {  	v14 =	vshll.u32 v13, $0x1  }
0x6e: {  	v13 =	vand.u32 $0x7, v13;
	v14 =	vand.u32 $0xFFFFFFF0, v14  }
0x6f: {  	v13 =	vor.u32 v13, v14  }
0x70: {  	v14 =	vperm.xlane v13, v1;
	_ =	sdelay $0x1  }
0x71: {  	v13 =	vperm.xlane v13, v3;
	v14 =	vadd.s32 v2, v14;
	_ =	sdelay $0x1  }
0x72: {  	v13 =	vadd.s32 v2, v13;
	_ =	sdelay $0x2  }
0x73: {  	[tilespmem:s12], [sflag:$0x1] =	stream.indirect_vreg.gather [hbm4b:s1+s30], $0x80, v14, vm0, $0xb8;
	[tilespmem:$0x12480] =	vst v63  }
0x74: {  	_ = 	snop  }
0x75: {  	[tilespmem:s13], [sflag:$0x1] =	stream.indirect_vreg.gather [hbm4b:s1+s30], $0x80, v13, vm0, $0xb8;
	[tilespmem:$0x12480] =	vst v63  }
0x76: {  	v13 =	vld [tilespmem:$0x2030];
	_ =	sdelay $0x4  }
0x77: {  	v14 =	vshll.u32 v13, $0x1  }
0x78: {  	v13 =	vand.u32 $0x7, v13;
	v14 =	vand.u32 $0xFFFFFFF0, v14  }
0x79: {  	v13 =	vor.u32 v13, v14  }
0x7a: {  	v14 =	vperm.xlane v13, v1;
	_ =	sdelay $0x1  }
0x7b: {  	v13 =	vperm.xlane v13, v3;
	v14 =	vadd.s32 v2, v14;
	_ =	sdelay $0x1  }
0x7c: {  	v13 =	vadd.s32 v2, v13;
	_ =	sdelay $0x2  }
0x7d: {  	[tilespmem:s14], [sflag:$0x1] =	stream.indirect_vreg.gather [hbm4b:s1+s30], $0x80, v14, vm0, $0xb8;
	[tilespmem:$0x12480] =	vst v63  }
0x7e: {  	_ = 	snop  }
0x7f: {  	[tilespmem:s15], [sflag:$0x1] =	stream.indirect_vreg.gather [hbm4b:s1+s30], $0x80, v13, vm0, $0xb8;
	[tilespmem:$0x12480] =	vst v63  }
0x80: {  	v13 =	vld [tilespmem:$0x2040];
	_ =	sdelay $0x4  }
0x81: {  	v14 =	vshll.u32 v13, $0x1  }
0x82: {  	v13 =	vand.u32 $0x7, v13;
	v14 =	vand.u32 $0xFFFFFFF0, v14  }
0x83: {  	v13 =	vor.u32 v13, v14  }
0x84: {  	v14 =	vperm.xlane v13, v1;
	_ =	sdelay $0x1  }
0x85: {  	v13 =	vperm.xlane v13, v3;
	v14 =	vadd.s32 v2, v14;
	_ =	sdelay $0x1  }
0x86: {  	v13 =	vadd.s32 v2, v13;
	_ =	sdelay $0x2  }
0x87: {  	[tilespmem:s16], [sflag:$0x1] =	stream.indirect_vreg.gather [hbm4b:s1+s30], $0x80, v14, vm0, $0xb8;
	[tilespmem:$0x12480] =	vst v63  }
0x88: {  	_ = 	snop  }
0x89: {  	[tilespmem:s17], [sflag:$0x1] =	stream.indirect_vreg.gather [hbm4b:s1+s30], $0x80, v13, vm0, $0xb8;
	[tilespmem:$0x12480] =	vst v63  }
0x8a: {  	v13 =	vld [tilespmem:$0x2050];
	_ =	sdelay $0x4  }
0x8b: {  	v14 =	vshll.u32 v13, $0x1  }
0x8c: {  	v13 =	vand.u32 $0x7, v13;
	v14 =	vand.u32 $0xFFFFFFF0, v14  }
0x8d: {  	v13 =	vor.u32 v13, v14  }
0x8e: {  	v14 =	vperm.xlane v13, v1;
	_ =	sdelay $0x1  }
0x8f: {  	v13 =	vperm.xlane v13, v3;
	v14 =	vadd.s32 v2, v14;
	_ =	sdelay $0x1  }
0x90: {  	v13 =	vadd.s32 v2, v13;
	_ =	sdelay $0x2  }
0x91: {  	[tilespmem:s18], [sflag:$0x1] =	stream.indirect_vreg.gather [hbm4b:s1+s30], $0x80, v14, vm0, $0xb8;
	[tilespmem:$0x12480] =	vst v63  }
0x92: {  	_ = 	snop  }
0x93: {  	[tilespmem:s19], [sflag:$0x1] =	stream.indirect_vreg.gather [hbm4b:s1+s30], $0x80, v13, vm0, $0xb8;
	[tilespmem:$0x12480] =	vst v63  }
0x94: {  	v13 =	vld [tilespmem:$0x2060];
	_ =	sdelay $0x4  }
0x95: {  	v14 =	vshll.u32 v13, $0x1  }
0x96: {  	v13 =	vand.u32 $0x7, v13;
	v14 =	vand.u32 $0xFFFFFFF0, v14  }
0x97: {  	v13 =	vor.u32 v13, v14  }
0x98: {  	v14 =	vperm.xlane v13, v1;
	_ =	sdelay $0x1  }
0x99: {  	v13 =	vperm.xlane v13, v3;
	v14 =	vadd.s32 v2, v14;
	_ =	sdelay $0x1  }
0x9a: {  	v13 =	vadd.s32 v2, v13;
	_ =	sdelay $0x2  }
0x9b: {  	[tilespmem:s20], [sflag:$0x1] =	stream.indirect_vreg.gather [hbm4b:s1+s30], $0x80, v14, vm0, $0xb8;
	[tilespmem:$0x12480] =	vst v63  }
0x9c: {  	_ = 	snop  }
0x9d: {  	[tilespmem:s21], [sflag:$0x1] =	stream.indirect_vreg.gather [hbm4b:s1+s30], $0x80, v13, vm0, $0xb8;
	[tilespmem:$0x12480] =	vst v63  }
0x9e: {  	v13 =	vld [tilespmem:$0x2070];
	_ =	sdelay $0x4  }
0x9f: {  	v14 =	vshll.u32 v13, $0x1  }
0xa0: {  	v13 =	vand.u32 $0x7, v13;
	v14 =	vand.u32 $0xFFFFFFF0, v14  }
0xa1: {  	v13 =	vor.u32 v13, v14  }
0xa2: {  	v14 =	vperm.xlane v13, v1;
	_ =	sdelay $0x1  }
0xa3: {  	v13 =	vperm.xlane v13, v3;
	v14 =	vadd.s32 v2, v14;
	_ =	sdelay $0x1  }
0xa4: {  	v13 =	vadd.s32 v2, v13;
	_ =	sdelay $0x1  }
0xa5: {  	v15 =	vmov s30  }
0xa6: {  	[tilespmem:s22], [sflag:$0x1] =	stream.indirect_vreg.gather [hbm4b:s1+s30], $0x80, v14, vm0, $0xb8;
	v14 =	vshll.u32 v15, $0x3;
	[tilespmem:$0x12480] =	vst v63  }
0xa7: {  	v15 =	vand.u32 $0x7E, v15;
	v14 =	vand.u32 $0x400, v14  }
0xa8: {  	[tilespmem:s23], [sflag:$0x1] =	stream.indirect_vreg.gather [hbm4b:s1+s30], $0x80, v13, vm0, $0xb8;
	v19 =	vor.u32 v15, v14;
	[tilespmem:$0x12480] =	vst v63  }
0xa9: {  	_ =	swait.ge [sflag:s7], $0x8000;
	v15 =	vor.u32 v4, v19  }
0xaa: {  	v16 =	vor.u32 v5, v19;
	[sflag:s7] =	ssyncset.done $0x0  }
0xab: {  	[sflag:s7] =	ssyncadd.s32 $0xFFFF8000  }
0xac: {  	v17 =	vor.u32 v6, v19;
	v13 =	vld [tilespmem:$0x2080]  }
0xad: {  	v14 =	vld [tilespmem:$0x2100]  }
0xae: {  	v20 =	vor.u32 v7, v19;
	v18 =	vld.idx.msk [tilespmem:v15+s8+$0x0], $0xffff  }
0xaf: {  	v21 =	vld.idx.msk [tilespmem:v16+s8+$0x0], $0xffff  }
0xb0: {  	v22 =	vor.u32 v8, v19;
	v15 =	vld [tilespmem:$0x2180]  }
0xb1: {  	v24 =	vor.u32 v9, v19;
	v23 =	vld.idx.msk [tilespmem:v17+s8+$0x0], $0xffff  }
0xb2: {  	v16 =	vld [tilespmem:$0x2200]  }
0xb3: {  	v20 =	vld.idx.msk [tilespmem:v20+s8+$0x0], $0xffff  }
0xb4: {  	v25 =	vor.u32 v10, v19;
	v17 =	vld [tilespmem:$0x2280];
	v26 =	vmul.f32 v18, v13;
	v21 =	vmul.f32 v21, v14  }
0xb5: {  	v22 =	vld.idx.msk [tilespmem:v22+s8+$0x0], $0xffff  }
0xb6: {  	v27 =	vor.u32 v11, v19;
	v24 =	vld.idx.msk [tilespmem:v24+s8+$0x0], $0xffff;
	v23 =	vmul.f32 v23, v15;
	v21 =	vadd.f32 v21, v26  }
0xb7: {  	v18 =	vld [tilespmem:$0x2300]  }
0xb8: {  	v19 =	vld [tilespmem:$0x2380];
	v21 =	vadd.f32 v23, v21;
	v23 =	vmul.f32 v20, v16  }
0xb9: {  	v25 =	vld.idx.msk [tilespmem:v25+s8+$0x0], $0xffff  }
0xba: {  	v22 =	vmul.f32 v22, v17;
	v20 =	vld [tilespmem:$0x2400];
	v21 =	vadd.f32 v23, v21  }
0xbb: {  	s28 =	simm.s32 $0x1;
	v23 =	vld.idx.msk [tilespmem:v27+s8+$0x0], $0xffff  }
0xbc: {  	v21 =	vadd.f32 v22, v21;
	v22 =	vmul.f32 v24, v18;
	v24 =	vmov s28  }
0xbd: {  	v26 =	vand.u32 $0x7F, v24;
	v24 =	vshll.u32 v24, $0x3  }
0xbe: {  	v21 =	vadd.f32 v22, v21;
	v22 =	vmul.f32 v25, v19;
	v24 =	vand.u32 $0x400, v24  }
0xbf: {  	v24 =	vor.u32 v26, v24  }
0xc0: {  	v21 =	vadd.f32 v22, v21;
	v22 =	vmul.f32 v23, v20;
	v23 =	vor.u32 v4, v24  }
0xc1: {  	v25 =	vor.u32 v5, v24  }
0xc2: {  	v21 =	vadd.f32 v22, v21  }
0xc3: {  	v22 =	vor.u32 v6, v24  }
0xc4: {  	[tilespmem:s6+$0xFFFFFF80] =	vst v21  }
0xc5: {  	v21 =	vor.u32 v7, v24;
	v23 =	vld.idx.msk [tilespmem:v23+s8+$0x0], $0xffff  }
0xc6: {  	v25 =	vld.idx.msk [tilespmem:v25+s8+$0x0], $0xffff  }
0xc7: {  	v26 =	vor.u32 v8, v24  }
0xc8: {  	v22 =	vld.idx.msk [tilespmem:v22+s8+$0x0], $0xffff  }
0xc9: {  	v27 =	vor.u32 v9, v24  }
0xca: {  	v21 =	vld.idx.msk [tilespmem:v21+s8+$0x0], $0xffff  }
0xcb: {  	v63 =	vor.u32 v10, v24;
	v23 =	vmul.f32 v23, v13;
	v25 =	vmul.f32 v25, v14  }
0xcc: {  	v24 =	vor.u32 v11, v24;
	v26 =	vld.idx.msk [tilespmem:v26+s8+$0x0], $0xffff  }
0xcd: {  	v22 =	vmul.f32 v22, v15;
	v23 =	vadd.f32 v25, v23  }
0xce: {  	v25 =	vld.idx.msk [tilespmem:v27+s8+$0x0], $0xffff  }
0xcf: {  	v21 =	vmul.f32 v21, v16;
	v22 =	vadd.f32 v22, v23  }
0xd0: {  	v23 =	vld.idx.msk [tilespmem:v63+s8+$0x0], $0xffff  }
0xd1: {  	v24 =	vld.idx.msk [tilespmem:v24+s8+$0x0], $0xffff;
	v26 =	vmul.f32 v26, v17;
	v21 =	vadd.f32 v21, v22  }
0xd2: {  	s0 =	simm.s32 $0x2  }
0xd3: {  	v22 =	vmov s0;
	v25 =	vmul.f32 v25, v18;
	v26 =	vadd.f32 v26, v21  }
0xd4: {  	v27 =	vshll.u32 v22, $0x3;
	v21 =	vand.u32 $0x7E, v22  }
0xd5: {  	v22 =	vand.u32 $0x400, v27;
	v27 =	vmul.f32 v23, v19;
	v25 =	vadd.f32 v25, v26  }
0xd6: {  	v24 =	vmul.f32 v24, v20;
	v21 =	vor.u32 v21, v22  }
0xd7: {  	s4 =	simm.s32 $0x4;
	s31 =	smov.u32 s6;
	s3 =	smov.u32 s6;
	v23 =	vor.u32 v4, v21;
	v22 =	vor.u32 v5, v21;
	v25 =	vadd.f32 v27, v25  }
.LBB2_4:
0xd8: {  	p0 =	slt.u32 s4, $0xFE  }
0xd9: {  	s31 =	sadd.s32 $0x100, s31;
	s28 =	smov.u32 s4;
	s4 =	sadd.s32 $0x2, s4  }
0xda: {  	v24 =	vadd.f32 v24, v25  }
0xdb: {  	v25 =	vor.u32 v6, v21  }
0xdc: {  	[tilespmem:s3+$0x0] =	vst v24;
	s3 =	smov.u32 s31  }
0xdd: {  	v24 =	vor.u32 v7, v21;
	v23 =	vld.idx.msk [tilespmem:v23+s8+$0x0], $0xffff  }
0xde: {  	v22 =	vld.idx.msk [tilespmem:v22+s8+$0x0], $0xffff  }
0xdf: {  	v26 =	vor.u32 v8, v21  }
0xe0: {  	v25 =	vld.idx.msk [tilespmem:v25+s8+$0x0], $0xffff  }
0xe1: {  	v27 =	vor.u32 v9, v21  }
0xe2: {  	v24 =	vld.idx.msk [tilespmem:v24+s8+$0x0], $0xffff  }
0xe3: {  	v28 =	vor.u32 v10, v21  }
0xe4: {  	v23 =	vmul.f32 v23, v13;
	v22 =	vmul.f32 v22, v14;
	v26 =	vld.idx.msk [tilespmem:v26+s8+$0x0], $0xffff  }
0xe5: {  	v21 =	vor.u32 v11, v21  }
0xe6: {  	v22 =	vadd.f32 v22, v23;
	v23 =	vmul.f32 v25, v15;
	v25 =	vld.idx.msk [tilespmem:v27+s8+$0x0], $0xffff;
	_ =	sdelay $0x1  }
0xe7: {  	v22 =	vadd.f32 v23, v22;
	v23 =	vmul.f32 v24, v16;
	v24 =	vld.idx.msk [tilespmem:v28+s8+$0x0], $0xffff;
	_ =	sdelay $0x1  }
0xe8: {  	v22 =	vadd.f32 v23, v22;
	v23 =	vmul.f32 v26, v17;
	v21 =	vld.idx.msk [tilespmem:v21+s8+$0x0], $0xffff  }
0xe9: {  	s24 =	sadd.s32 $0x1, s0;
	s0 =	smov.u32 s28  }
0xea: {  	v22 =	vadd.f32 v23, v22;
	v23 =	vmul.f32 v25, v18;
	v25 =	vmov s24  }
0xeb: {  	v26 =	vand.u32 $0x7F, v25;
	v25 =	vshll.u32 v25, $0x3  }
0xec: {  	v22 =	vadd.f32 v23, v22;
	v23 =	vmul.f32 v24, v19;
	v24 =	vand.u32 $0x400, v25  }
0xed: {  	v24 =	vor.u32 v26, v24  }
0xee: {  	v22 =	vadd.f32 v23, v22;
	v21 =	vmul.f32 v21, v20;
	v23 =	vor.u32 v4, v24  }
0xef: {  	v25 =	vor.u32 v5, v24  }
0xf0: {  	v21 =	vadd.f32 v21, v22;
	v22 =	vor.u32 v6, v24;
	_ =	sdelay $0x1  }
0xf1: {  	[tilespmem:s31+$0xFFFFFF80] =	vst v21;
	v21 =	vor.u32 v7, v24  }
0xf2: {  	v23 =	vld.idx.msk [tilespmem:v23+s8+$0x0], $0xffff  }
0xf3: {  	v26 =	vor.u32 v8, v24;
	v25 =	vld.idx.msk [tilespmem:v25+s8+$0x0], $0xffff  }
0xf4: {  	v22 =	vld.idx.msk [tilespmem:v22+s8+$0x0], $0xffff  }
0xf5: {  	v27 =	vor.u32 v9, v24  }
0xf6: {  	v21 =	vld.idx.msk [tilespmem:v21+s8+$0x0], $0xffff  }
0xf7: {  	v28 =	vor.u32 v10, v24  }
0xf8: {  	v23 =	vmul.f32 v23, v13;
	v26 =	vld.idx.msk [tilespmem:v26+s8+$0x0], $0xffff  }
0xf9: {  	v24 =	vor.u32 v11, v24;
	v25 =	vmul.f32 v25, v14  }
0xfa: {  	v22 =	vmul.f32 v22, v15;
	v27 =	vld.idx.msk [tilespmem:v27+s8+$0x0], $0xffff  }
0xfb: {  	v23 =	vadd.f32 v25, v23  }
0xfc: {  	v21 =	vmul.f32 v21, v16;
	v25 =	vld.idx.msk [tilespmem:v28+s8+$0x0], $0xffff  }
0xfd: {  	v22 =	vadd.f32 v22, v23  }
0xfe: {  	v23 =	vmul.f32 v26, v17;
	v24 =	vld.idx.msk [tilespmem:v24+s8+$0x0], $0xffff  }
0xff: {  	v21 =	vadd.f32 v21, v22  }
0x100: {  	v22 =	vmov s0;
	v26 =	vmul.f32 v27, v18  }
.Ltmp0:
0x101: {  	v27 =	vshll.u32 v22, $0x3;
	v23 =	vadd.f32 v23, v21;
	(pc) =	sbr.rel @p0 .LBB2_4-.Ltmp0, $4  }
0x102: {  	v21 =	vand.u32 $0x7E, v22;
	v22 =	vand.u32 $0x400, v27;
	v25 =	vmul.f32 v25, v19  }
0x103: {  	v21 =	vor.u32 v21, v22;
	v26 =	vadd.f32 v26, v23  }
0x104: {  	v23 =	vor.u32 v4, v21;
	v22 =	vor.u32 v5, v21;
	v24 =	vmul.f32 v24, v20  }
0x105: {  	v25 =	vadd.f32 v25, v26  }
0x106: {  	_ = 	snop  }
0x107: {  	v24 =	vadd.f32 v24, v25  }
0x108: {  	v41 =	vor.u32 v6, v21  }
0x109: {  	[tilespmem:s3+$0x0] =	vst v24  }
0x10a: {  	v42 =	vor.u32 v7, v21;
	v23 =	vld.idx.msk [tilespmem:v23+s8+$0x0], $0xffff  }
0x10b: {  	v22 =	vld.idx.msk [tilespmem:v22+s8+$0x0], $0xffff  }
0x10c: {  	v26 =	vor.u32 v8, v21  }
0x10d: {  	v25 =	vld.idx.msk [tilespmem:v41+s8+$0x0], $0xffff  }
0x10e: {  	v27 =	vor.u32 v9, v21  }
0x10f: {  	v24 =	vld.idx.msk [tilespmem:v42+s8+$0x0], $0xffff  }
0x110: {  	v28 =	vor.u32 v10, v21;
	v23 =	vmul.f32 v23, v13;
	v22 =	vmul.f32 v22, v14  }
0x111: {  	v26 =	vld.idx.msk [tilespmem:v26+s8+$0x0], $0xffff  }
0x112: {  	v43 =	vor.u32 v11, v21;
	v44 =	vmul.f32 v25, v15;
	v22 =	vadd.f32 v22, v23  }
0x113: {  	v45 =	vld.idx.msk [tilespmem:v27+s8+$0x0], $0xffff  }
0x114: {  	v46 =	vmul.f32 v24, v16;
	v22 =	vadd.f32 v44, v22  }
0x115: {  	v47 =	vld.idx.msk [tilespmem:v28+s8+$0x0], $0xffff  }
0x116: {  	v48 =	vmul.f32 v26, v17;
	v22 =	vadd.f32 v46, v22  }
0x117: {  	s0 =	sadd.s32 $0x1, s0;
	v21 =	vld.idx.msk [tilespmem:v43+s8+$0x0], $0xffff  }
0x118: {  	v50 =	vmov s0;
	v49 =	vmul.f32 v45, v18;
	v22 =	vadd.f32 v48, v22  }
0x119: {  	v51 =	vand.u32 $0x7F, v50;
	v25 =	vshll.u32 v50, $0x3  }
0x11a: {  	v52 =	vmul.f32 v47, v19;
	v53 =	vand.u32 $0x400, v25;
	v22 =	vadd.f32 v49, v22  }
0x11b: {  	v24 =	vor.u32 v51, v53  }
0x11c: {  	v21 =	vmul.f32 v21, v20;
	v54 =	vor.u32 v4, v24;
	v22 =	vadd.f32 v52, v22  }
0x11d: {  	v55 =	vor.u32 v5, v24  }
0x11e: {  	v21 =	vadd.f32 v21, v22  }
0x11f: {  	s31 =	sadd.s32 $0x100, s31;
	v56 =	vor.u32 v6, v24  }
0x120: {  	[tilespmem:s31+$0xFFFFFF80] =	vst v21  }
0x121: {  	v57 =	vor.u32 v7, v24;
	v23 =	vld.idx.msk [tilespmem:v54+s8+$0x0], $0xffff  }
0x122: {  	v25 =	vld.idx.msk [tilespmem:v55+s8+$0x0], $0xffff  }
0x123: {  	v26 =	vor.u32 v8, v24  }
0x124: {  	v22 =	vld.idx.msk [tilespmem:v56+s8+$0x0], $0xffff  }
0x125: {  	v58 =	vor.u32 v9, v24  }
0x126: {  	v21 =	vld.idx.msk [tilespmem:v57+s8+$0x0], $0xffff  }
0x127: {  	v59 =	vor.u32 v10, v24;
	v13 =	vmul.f32 v23, v13;
	v14 =	vmul.f32 v25, v14  }
0x128: {  	v60 =	vld.idx.msk [tilespmem:v26+s8+$0x0], $0xffff  }
0x129: {  	v24 =	vor.u32 v11, v24;
	v15 =	vmul.f32 v22, v15;
	v13 =	vadd.f32 v14, v13  }
0x12a: {  	v14 =	vld.idx.msk [tilespmem:v58+s8+$0x0], $0xffff  }
0x12b: {  	v61 =	vmul.f32 v21, v16;
	v13 =	vadd.f32 v15, v13  }
0x12c: {  	v15 =	vld.idx.msk [tilespmem:v59+s8+$0x0], $0xffff  }
0x12d: {  	v62 =	vmul.f32 v60, v17;
	v13 =	vadd.f32 v61, v13  }
0x12e: {  	v63 =	vld.idx.msk [tilespmem:v24+s8+$0x0], $0xffff  }
0x12f: {  	v14 =	vmul.f32 v14, v18;
	v13 =	vadd.f32 v62, v13;
	_ =	sdelay $0x1  }
0x130: {  	s2 =	sadd.s32 $0x1, s2;
	v15 =	vmul.f32 v15, v19;
	v13 =	vadd.f32 v14, v13  }
0x131: {  	p0 =	sne.s32 s2, $0x8  }
.Ltmp1:
0x132: {  	v14 =	vmul.f32 v63, v20;
	v13 =	vadd.f32 v15, v13;
	(pc) =	sbr.rel @p0 .LBB2_3-.Ltmp1, $3  }
0x133: {  	_ = 	snop  }
0x134: {  	v13 =	vadd.f32 v14, v13;
	_ =	sdelay $0x1  }
0x135: {  	s6 =	sadd.s32 $0x10, s6;
	[tilespmem:s31+$0x0] =	vst v13  }
0x136: {  	s0 =	sshll.u32 s29, $0x7;
	s29 =	sadd.s32 $0x1, s29  }
0x137: {  	p0 =	sne.s32 s29, $0x10  }
.Ltmp2:
0x138: {  	s2 =	simm.s32 $0x400;
	s0 =	sadd.s32 s0, s5;
	(pc) =	sbr.rel @p0 .LBB2_2-.Ltmp2, $4  }
0x139: {  	[hbm4b:s0+s2] =	stream.strided.scatter [tilespmem:s26], [sflag:$0x1], $0x8000, s25, s2, $0x38;
	[tilespmem:$0x12480] =	vst v63  }
0x13a: {  	_ =	swait.ge [sflag:s7], $0x8000  }
0x13b: {  	[sflag:s7] =	ssyncset.done $0x0  }
0x13c: {  	[sflag:s7] =	ssyncadd.s32 $0xFFFF8000  }
0x13d: {  	s2 =	rddreg [dreg:$0x6]  }
0x13e: {  	s0 =	rddreg [dreg:$0x5];
	s2 =	sadd.s32 $0x1, s2  }
0x13f: {  	p0 =	sne.s32 s2, s0  }
.Ltmp3:
0x140: {  	_ = 	snop;
	(pc) =	sbr.rel @p0 .LBB2_1-.Ltmp3, $1  }
0x141: {  	_ =	sdelay $0x3  }
0x142: {  	_ =	sfence.sel $0x180000  }
0x143: {  	[bflag:$0x0] =	sbarrier.arrive $0xFFFF  }
0x144: {  	_ =	strace $0x90000047  }
0x145: {  	s0 =	stileid.u32;
	[bflag:$0x2] =	sbarrier.arrive $0xFFFF  }
0x146: {  	p0 =	sne.s32 s0, $0x0;
	s0 =	rddreg [dreg:$0x3]  }
0x147: {  	s0 =	sadd.s32 @!p0 $0x100000, s0  }
0x148: {  	[sflag:s0] =	ssyncadd.tile.s32 @!p0 $0x1;
	_ =	shalt  }
.Lfunc_end2:
_tile_overlayer_lowered:
.L_overlay_start_2:
0x149: {  	(tag) =	ssettag $0x2  }
0x14a: {  	s0 =	rddreg [dreg:$0x0];
	s2 =	stileid.u32  }
0x14b: {  	s1 =	rddreg [dreg:$0x1];
	p0 =	sne.s32 s2, $0x0  }
0x14c: {  	s3 =	rddreg [dreg:$0x2];
	[bflag:$0x3] =	sbarrier.arrive $0xFFFF;
	s2 =	simm.s32 @!p0 $0x1C01  }
0x14d: {  	[timem:s3], [sflag:s2] =	dma.local @!p0 [hbm:s0], s1  }
0x14e: {  	s0 =	simm.s32 @!p0 $0x1  }
0x14f: {  	_ =	swait.ge @!p0 [sflag:s0], s1  }
0x150: {  	s1 =	ssub.s32 @!p0 $0x0, s1;
	[sflag:s0] =	ssyncset.done @!p0 $0x0  }
0x151: {  	[sflag:s0] =	ssyncadd.s32 @!p0 s1  }
0x152: {  	[bflag:$0x3] =	sbarrier.arrive $0xFFFF  }
0x153: {  	_ =	shalt  }

</sc_bundles>
